<compile_context>
chip_gen: v7x
topology: tpu7x:2x2x1
jax: 0.10.2.dev20260603
libtpu: 0.0.44.dev20260713+nightly
codegen_flags: <defaults>
</compile_context>

<pallas_src>
import functools

import jax
import jax.numpy as jnp
from jax import lax
from jax.experimental import pallas as pl
from jax.experimental.pallas import tpu as pltpu
from jax.experimental.pallas import tpu_sc as plsc

N = 10000
D = 128
E = 160000
HD = D // 2
WP = HD + 8
NC = 2
NS = 16
CH = 128
EC = E // NS
NCH = -(-EC // CH)
EPAD = NCH * CH
RPAD = 10240
RT = RPAD // NS
RC = RT // CH
BR = 1000


def _sc_agg_body(xlo_hbm, xhi_hbm, src_hbm, dst_hbm, zeros_hbm, out_hbm,
                 src_v, dst_v, rows_v, accum, gsem, ssem):
    c = lax.axis_index("c")
    s = lax.axis_index("s")
    pltpu.sync_copy(src_hbm.at[c, s], src_v)
    pltpu.sync_copy(dst_hbm.at[c, s], dst_v)
    for p, x_hbm in ((0, xlo_hbm), (1, xhi_hbm)):
        for k in range(RC):
            pltpu.sync_copy(zeros_hbm, accum.at[pl.ds(s * RT + k * CH, CH)])
        plsc.subcore_barrier()
        pltpu.async_copy(x_hbm.at[src_v.at[0]], rows_v.at[0], gsem)

        def chunk(j, carry):
            buf = rows_v.at[j % 2]
            pltpu.make_async_copy(x_hbm.at[src_v.at[j]], buf, gsem).wait()
            pltpu.async_copy(buf, accum.at[dst_v.at[j]], ssem, add=True)

            @pl.when(j >= 1)
            def _():
                pltpu.make_async_copy(rows_v.at[(j + 1) % 2],
                                      accum.at[dst_v.at[j - 1]], ssem).wait()

            @pl.when(j + 1 < NCH)
            def _():
                pltpu.async_copy(x_hbm.at[src_v.at[j + 1]],
                                 rows_v.at[(j + 1) % 2], gsem)
            return carry

        lax.fori_loop(0, NCH, chunk, 0)
        pltpu.make_async_copy(rows_v.at[(NCH - 1) % 2],
                              accum.at[dst_v.at[NCH - 1]], ssem).wait()
        plsc.subcore_barrier()
        for k in range(RC):
            r0 = s * RT + k * CH
            pltpu.sync_copy(accum.at[pl.ds(r0, CH)], out_hbm.at[c, p, pl.ds(r0, CH)])


_sc_agg = functools.partial(
    pl.kernel,
    out_type=jax.ShapeDtypeStruct((NC, 2, RPAD, WP), jnp.float32),
    mesh=plsc.VectorSubcoreMesh(core_axis_name="c", subcore_axis_name="s"),
    scratch_types=[
        pltpu.VMEM((NCH, CH), jnp.int32),
        pltpu.VMEM((NCH, CH), jnp.int32),
        pltpu.VMEM((2, CH, WP), jnp.float32),
        pltpu.VMEM_SHARED((RPAD, WP), jnp.float32),
        pltpu.SemaphoreType.DMA,
        pltpu.SemaphoreType.DMA,
    ],
    compiler_params=pltpu.CompilerParams(use_tc_tiling_on_sc=False),
)(_sc_agg_body)


def _tc_body(rl_ref, a0l_ref, a0h_ref, a1l_ref, a1h_ref, x_ref,
             wl0_ref, wl1_ref, wr0_ref, wr1_ref, b_ref, out_ref, rw_ref):
    rl = rl_ref[0, :]
    e = jnp.exp(rl - jnp.max(rl))
    w = e / jnp.sum(e)
    rw_ref[0, :] = w
    a0l = a0l_ref[0, 0]
    a0h = a0h_ref[0, 0]
    a1l = a1l_ref[0, 0]
    a1h = a1h_ref[0, 0]
    c0 = jnp.maximum(a0l[:, HD:HD + 1], 1.0)
    c1 = jnp.maximum(a1l[:, HD:HD + 1], 1.0)
    wl0 = wl0_ref[...]
    wl1 = wl1_ref[...]
    h0 = (jnp.dot(a0l[:, :HD] / c0, wl0[:HD], preferred_element_type=jnp.float32)
          + jnp.dot(a0h[:, :HD] / c0, wl0[HD:], preferred_element_type=jnp.float32))
    h1 = (jnp.dot(a1l[:, :HD] / c1, wl1[:HD], preferred_element_type=jnp.float32)
          + jnp.dot(a1h[:, :HD] / c1, wl1[HD:], preferred_element_type=jnp.float32))
    wr = wr0_ref[...] * w[0:1] + wr1_ref[...] * w[1:2]
    hr = jnp.dot(x_ref[...], wr, preferred_element_type=jnp.float32)
    bias = b_ref[0:1, :] * w[0:1] + b_ref[1:2, :] * w[1:2]
    out_ref[...] = h0 * w[0:1] + h1 * w[1:2] + hr + bias


_tc_combine = pl.pallas_call(
    _tc_body,
    grid=(N // BR,),
    in_specs=[
        pl.BlockSpec((1, 2), lambda i: (0, 0)),
        pl.BlockSpec((1, 1, BR, WP), lambda i: (0, 0, i, 0)),
        pl.BlockSpec((1, 1, BR, WP), lambda i: (0, 1, i, 0)),
        pl.BlockSpec((1, 1, BR, WP), lambda i: (1, 0, i, 0)),
        pl.BlockSpec((1, 1, BR, WP), lambda i: (1, 1, i, 0)),
        pl.BlockSpec((BR, D), lambda i: (i, 0)),
        pl.BlockSpec((D, D), lambda i: (0, 0)),
        pl.BlockSpec((D, D), lambda i: (0, 0)),
        pl.BlockSpec((D, D), lambda i: (0, 0)),
        pl.BlockSpec((D, D), lambda i: (0, 0)),
        pl.BlockSpec((2, D), lambda i: (0, 0)),
    ],
    out_specs=[
        pl.BlockSpec((BR, D), lambda i: (i, 0)),
        pl.BlockSpec((1, 2), lambda i: (0, 0)),
    ],
    out_shape=[
        jax.ShapeDtypeStruct((N, D), jnp.float32),
        jax.ShapeDtypeStruct((1, 2), jnp.float32),
    ],
)


def _prep_idx(edge_index):
    src = edge_index[0].reshape(NS, EC)
    dst = edge_index[1].reshape(NS, EC)
    pad = EPAD - EC
    src = jnp.pad(src, ((0, 0), (0, pad))).reshape(NS, NCH, CH)
    dst = jnp.pad(dst, ((0, 0), (0, pad)), constant_values=N).reshape(NS, NCH, CH)
    return src, dst


def kernel(x, edge_index_0, edge_index_1, rel_logits,
           W_l0, b_l0, W_r0, W_l1, b_l1, W_r1):
    ones = jnp.ones((N, WP - HD), jnp.float32)
    xlo = jnp.concatenate([x[:, :HD], ones], axis=1)
    xhi = jnp.concatenate([x[:, HD:], ones], axis=1)
    s0, d0 = _prep_idx(edge_index_0)
    s1, d1 = _prep_idx(edge_index_1)
    src_all = jnp.stack([s0, s1])
    dst_all = jnp.stack([d0, d1])
    zeros = jnp.zeros((CH, WP), jnp.float32)
    agg = _sc_agg(xlo, xhi, src_all, dst_all, zeros)
    new_x, rw = _tc_combine(rel_logits.reshape(1, 2),
                            agg, agg, agg, agg,
                            x, W_l0, W_l1, W_r0, W_r1,
                            jnp.stack([b_l0, b_l1]))
    return new_x, rw.reshape(2)

# --- scband reference (transcript-rebuilt; emitter-appended) ---
"""Pipeline reference for scband-gtnlite-layer-30365418783290 (READ-ONLY COPY).

The authoritative reference and input builder live on the scoring server;
editing this copy changes nothing except your own understanding.
"""

import jax, jax.numpy as jnp
import numpy as np

N = 10000
D = 128
E = 160000


def _segment_mean(src_feat, dst_idx, num_nodes):
    s = jax.ops.segment_sum(src_feat, dst_idx, num_segments=num_nodes)
    cnt = jax.ops.segment_sum(jnp.ones((dst_idx.shape[0],), dtype=src_feat.dtype), dst_idx, num_segments=num_nodes)
    return s / jnp.clip(cnt, 1.0)[:, None]


def _sage_conv(x, edge_index, W_l, b_l, W_r):
    # PyG SAGEConv (mean aggr): out = lin_l(mean_j x_j) + lin_r(x_dst); lin_r has no bias
    src = edge_index[0]
    dst = edge_index[1]
    agg = _segment_mean(x[src], dst, x.shape[0])
    return agg @ W_l + b_l + x @ W_r


def setup_inputs(seed: int = 0):
    key = jax.random.key(seed)
    ks = jax.random.split(key, 10)
    x = jax.random.normal(ks[0], (N, D), dtype=jnp.float32)
    edge_index_0 = jax.random.randint(ks[1], (2, E), 0, N, dtype=jnp.int32)
    edge_index_1 = jax.random.randint(ks[2], (2, E), 0, N, dtype=jnp.int32)
    rel_logits = jnp.zeros((2,), dtype=jnp.float32)
    scale = 1.0 / np.sqrt(D)
    W_l0 = jax.random.normal(ks[3], (D, D), dtype=jnp.float32) * scale
    b_l0 = jnp.zeros((D,), dtype=jnp.float32)
    W_r0 = jax.random.normal(ks[4], (D, D), dtype=jnp.float32) * scale
    W_l1 = jax.random.normal(ks[5], (D, D), dtype=jnp.float32) * scale
    b_l1 = jnp.zeros((D,), dtype=jnp.float32)
    W_r1 = jax.random.normal(ks[6], (D, D), dtype=jnp.float32) * scale
    return {"x": x, "edge_index_0": edge_index_0, "edge_index_1": edge_index_1,
            "rel_logits": rel_logits,
            "W_l0": W_l0, "b_l0": b_l0, "W_r0": W_r0,
            "W_l1": W_l1, "b_l1": b_l1, "W_r1": W_r1}


def reference(x, edge_index_0, edge_index_1, rel_logits, W_l0, b_l0, W_r0, W_l1, b_l1, W_r1):
    rel_weight = jax.nn.softmax(rel_logits, axis=0)
    h0 = _sage_conv(x, edge_index_0, W_l0, b_l0, W_r0)
    h1 = _sage_conv(x, edge_index_1, W_l1, b_l1, W_r1)
    new_x = rel_weight[0] * h0 + rel_weight[1] * h1
    return (new_x, rel_weight)

if __name__ == "__main__":
    import jax
    _d = setup_inputs()
    print(jax.jit(kernel)(*tuple(_d.values())))

</pallas_src>

<mosaic_0001>
#map = affine_map<(d0, d1) -> (0, 0)>
#map1 = affine_map<(d0, d1) -> (0, 0, 0, 0)>
module attributes {stable_mosaic.version = 14 : i64} {
  func.func @_sc_agg_body(%arg0: i32, %arg1: i32, %arg2: memref<10000x72xf32, #tpu.memory_space<hbm>>, %arg3: memref<10000x72xf32, #tpu.memory_space<hbm>>, %arg4: memref<2x16x79x128xi32, #tpu.memory_space<hbm>>, %arg5: memref<2x16x79x128xi32, #tpu.memory_space<hbm>>, %arg6: memref<128x72xf32, #tpu.memory_space<hbm>>, %arg7: memref<2x2x10240x72xf32, #tpu.memory_space<hbm>>, %arg8: memref<79x128xi32, #tpu.memory_space<vmem>>, %arg9: memref<79x128xi32, #tpu.memory_space<vmem>>, %arg10: memref<2x128x72xf32, #tpu.memory_space<vmem>>, %arg11: memref<10240x72xf32, #tpu.memory_space<vmem_shared>>, %arg12: memref<!tpu.dma_semaphore, #tpu.memory_space<semaphore_mem>>, %arg13: memref<!tpu.dma_semaphore, #tpu.memory_space<semaphore_mem>>) attributes {dimension_semantics = [#tpu.dimension_semantics<core_parallel>, #tpu.dimension_semantics<subcore_parallel>], iteration_bounds = array<i64: 2, 16>, scalar_prefetch = 0 : i64, scratch_operands = 6 : i64, tpu.core_type = #tpu.core_type<sc_vector_subcore>, window_params = [{transform_indices = #map}, {transform_indices = #map}, {transform_indices = #map1}, {transform_indices = #map1}, {transform_indices = #map}, {transform_indices = #map1}]} {
    "tpu.region"() ({
      %run_scoped3A_147 = tpu.sem_alloc : memref<!tpu.dma_semaphore, #tpu.memory_space<semaphore_mem>>
      %dma_start3A_148 = arith.constant 0 : i32
      %dma_start3A_149 = arith.constant 0 : i32
      %dma_start3A_150 = tpu.memref_slice %arg4[%arg0, %arg1, %dma_start3A_148, %dma_start3A_149] : memref<2x16x79x128xi32, #tpu.memory_space<hbm>> -> memref<1x1x79x128xi32, #tpu.memory_space<hbm>>
      %dma_start3A_151 = tpu.memref_squeeze %dma_start3A_150 : memref<1x1x79x128xi32, #tpu.memory_space<hbm>> -> memref<79x128xi32, #tpu.memory_space<hbm>>
      %dma_start3A_152 = arith.constant 0 : i32
      %dma_start3A_153 = arith.constant 0 : i32
      %dma_start3A_154 = tpu.memref_slice %arg4[%arg0, %arg1, %dma_start3A_152, %dma_start3A_153] : memref<2x16x79x128xi32, #tpu.memory_space<hbm>> -> memref<1x1x79x128xi32, #tpu.memory_space<hbm>>
      %dma_start3A_155 = tpu.memref_squeeze %dma_start3A_154 : memref<1x1x79x128xi32, #tpu.memory_space<hbm>> -> memref<79x128xi32, #tpu.memory_space<hbm>>
      tpu.enqueue_dma source(%dma_start3A_155 : memref<79x128xi32, #tpu.memory_space<hbm>>) target(%arg8 : memref<79x128xi32, #tpu.memory_space<vmem>>) target_semaphore(%run_scoped3A_147 : memref<!tpu.dma_semaphore, #tpu.memory_space<semaphore_mem>>)
      %dma_wait3A_156 = arith.constant 0 : i32
      %dma_wait3A_157 = arith.constant 0 : i32
      %dma_wait3A_158 = tpu.memref_slice %arg4[%arg0, %arg1, %dma_wait3A_156, %dma_wait3A_157] : memref<2x16x79x128xi32, #tpu.memory_space<hbm>> -> memref<1x1x79x128xi32, #tpu.memory_space<hbm>>
      %dma_wait3A_159 = tpu.memref_squeeze %dma_wait3A_158 : memref<1x1x79x128xi32, #tpu.memory_space<hbm>> -> memref<79x128xi32, #tpu.memory_space<hbm>>
      %dma_wait3A_160 = arith.constant 0 : i32
      %dma_wait3A_161 = arith.constant 0 : i32
      %dma_wait3A_162 = tpu.memref_slice %arg4[%arg0, %arg1, %dma_wait3A_160, %dma_wait3A_161] : memref<2x16x79x128xi32, #tpu.memory_space<hbm>> -> memref<1x1x79x128xi32, #tpu.memory_space<hbm>>
      %dma_wait3A_163 = tpu.memref_squeeze %dma_wait3A_162 : memref<1x1x79x128xi32, #tpu.memory_space<hbm>> -> memref<79x128xi32, #tpu.memory_space<hbm>>
      tpu.wait_dma2 semaphore(%run_scoped3A_147 : memref<!tpu.dma_semaphore, #tpu.memory_space<semaphore_mem>>) src(%dma_wait3A_163 : memref<79x128xi32, #tpu.memory_space<hbm>>) dst(%arg8 : memref<79x128xi32, #tpu.memory_space<vmem>>)
      tpu.yield
    }) : () -> ()
    "tpu.region"() ({
      %run_scoped3A_147 = tpu.sem_alloc : memref<!tpu.dma_semaphore, #tpu.memory_space<semaphore_mem>>
      %dma_start3A_148 = arith.constant 0 : i32
      %dma_start3A_149 = arith.constant 0 : i32
      %dma_start3A_150 = tpu.memref_slice %arg5[%arg0, %arg1, %dma_start3A_148, %dma_start3A_149] : memref<2x16x79x128xi32, #tpu.memory_space<hbm>> -> memref<1x1x79x128xi32, #tpu.memory_space<hbm>>
      %dma_start3A_151 = tpu.memref_squeeze %dma_start3A_150 : memref<1x1x79x128xi32, #tpu.memory_space<hbm>> -> memref<79x128xi32, #tpu.memory_space<hbm>>
      %dma_start3A_152 = arith.constant 0 : i32
      %dma_start3A_153 = arith.constant 0 : i32
      %dma_start3A_154 = tpu.memref_slice %arg5[%arg0, %arg1, %dma_start3A_152, %dma_start3A_153] : memref<2x16x79x128xi32, #tpu.memory_space<hbm>> -> memref<1x1x79x128xi32, #tpu.memory_space<hbm>>
      %dma_start3A_155 = tpu.memref_squeeze %dma_start3A_154 : memref<1x1x79x128xi32, #tpu.memory_space<hbm>> -> memref<79x128xi32, #tpu.memory_space<hbm>>
      tpu.enqueue_dma source(%dma_start3A_155 : memref<79x128xi32, #tpu.memory_space<hbm>>) target(%arg9 : memref<79x128xi32, #tpu.memory_space<vmem>>) target_semaphore(%run_scoped3A_147 : memref<!tpu.dma_semaphore, #tpu.memory_space<semaphore_mem>>)
      %dma_wait3A_156 = arith.constant 0 : i32
      %dma_wait3A_157 = arith.constant 0 : i32
      %dma_wait3A_158 = tpu.memref_slice %arg5[%arg0, %arg1, %dma_wait3A_156, %dma_wait3A_157] : memref<2x16x79x128xi32, #tpu.memory_space<hbm>> -> memref<1x1x79x128xi32, #tpu.memory_space<hbm>>
      %dma_wait3A_159 = tpu.memref_squeeze %dma_wait3A_158 : memref<1x1x79x128xi32, #tpu.memory_space<hbm>> -> memref<79x128xi32, #tpu.memory_space<hbm>>
      %dma_wait3A_160 = arith.constant 0 : i32
      %dma_wait3A_161 = arith.constant 0 : i32
      %dma_wait3A_162 = tpu.memref_slice %arg5[%arg0, %arg1, %dma_wait3A_160, %dma_wait3A_161] : memref<2x16x79x128xi32, #tpu.memory_space<hbm>> -> memref<1x1x79x128xi32, #tpu.memory_space<hbm>>
      %dma_wait3A_163 = tpu.memref_squeeze %dma_wait3A_162 : memref<1x1x79x128xi32, #tpu.memory_space<hbm>> -> memref<79x128xi32, #tpu.memory_space<hbm>>
      tpu.wait_dma2 semaphore(%run_scoped3A_147 : memref<!tpu.dma_semaphore, #tpu.memory_space<semaphore_mem>>) src(%dma_wait3A_163 : memref<79x128xi32, #tpu.memory_space<hbm>>) dst(%arg9 : memref<79x128xi32, #tpu.memory_space<vmem>>)
      tpu.yield
    }) : () -> ()
    %mul3A = arith.constant 640 : i32
    %mul3A_0 = arith.muli %arg1, %mul3A : i32
    %add3A = arith.constant 0 : i32
    %add3A_1 = arith.addi %mul3A_0, %add3A : i32
    "tpu.region"() ({
      %run_scoped3A_147 = tpu.sem_alloc : memref<!tpu.dma_semaphore, #tpu.memory_space<semaphore_mem>>
      %dma_start3A_148 = arith.constant 0 : i32
      %dma_start3A_149 = tpu.memref_slice %arg11[%add3A_1, %dma_start3A_148] : memref<10240x72xf32, #tpu.memory_space<vmem_shared>> -> memref<128x72xf32, #tpu.memory_space<vmem_shared>>
      tpu.enqueue_dma source(%arg6 : memref<128x72xf32, #tpu.memory_space<hbm>>) target(%dma_start3A_149 : memref<128x72xf32, #tpu.memory_space<vmem_shared>>) target_semaphore(%run_scoped3A_147 : memref<!tpu.dma_semaphore, #tpu.memory_space<semaphore_mem>>)
      %dma_wait3A_150 = arith.constant 0 : i32
      %dma_wait3A_151 = tpu.memref_slice %arg11[%add3A_1, %dma_wait3A_150] : memref<10240x72xf32, #tpu.memory_space<vmem_shared>> -> memref<128x72xf32, #tpu.memory_space<vmem_shared>>
      tpu.wait_dma2 semaphore(%run_scoped3A_147 : memref<!tpu.dma_semaphore, #tpu.memory_space<semaphore_mem>>) src(%arg6 : memref<128x72xf32, #tpu.memory_space<hbm>>) dst(%dma_wait3A_151 : memref<128x72xf32, #tpu.memory_space<vmem_shared>>)
      tpu.yield
    }) : () -> ()
    %mul3A_2 = arith.constant 640 : i32
    %mul3A_3 = arith.muli %arg1, %mul3A_2 : i32
    %add3A_4 = arith.constant 128 : i32
    %add3A_5 = arith.addi %mul3A_3, %add3A_4 : i32
    "tpu.region"() ({
      %run_scoped3A_147 = tpu.sem_alloc : memref<!tpu.dma_semaphore, #tpu.memory_space<semaphore_mem>>
      %dma_start3A_148 = arith.constant 0 : i32
      %dma_start3A_149 = tpu.memref_slice %arg11[%add3A_5, %dma_start3A_148] : memref<10240x72xf32, #tpu.memory_space<vmem_shared>> -> memref<128x72xf32, #tpu.memory_space<vmem_shared>>
      tpu.enqueue_dma source(%arg6 : memref<128x72xf32, #tpu.memory_space<hbm>>) target(%dma_start3A_149 : memref<128x72xf32, #tpu.memory_space<vmem_shared>>) target_semaphore(%run_scoped3A_147 : memref<!tpu.dma_semaphore, #tpu.memory_space<semaphore_mem>>)
      %dma_wait3A_150 = arith.constant 0 : i32
      %dma_wait3A_151 = tpu.memref_slice %arg11[%add3A_5, %dma_wait3A_150] : memref<10240x72xf32, #tpu.memory_space<vmem_shared>> -> memref<128x72xf32, #tpu.memory_space<vmem_shared>>
      tpu.wait_dma2 semaphore(%run_scoped3A_147 : memref<!tpu.dma_semaphore, #tpu.memory_space<semaphore_mem>>) src(%arg6 : memref<128x72xf32, #tpu.memory_space<hbm>>) dst(%dma_wait3A_151 : memref<128x72xf32, #tpu.memory_space<vmem_shared>>)
      tpu.yield
    }) : () -> ()
    %mul3A_6 = arith.constant 640 : i32
    %mul3A_7 = arith.muli %arg1, %mul3A_6 : i32
    %add3A_8 = arith.constant 256 : i32
    %add3A_9 = arith.addi %mul3A_7, %add3A_8 : i32
    "tpu.region"() ({
      %run_scoped3A_147 = tpu.sem_alloc : memref<!tpu.dma_semaphore, #tpu.memory_space<semaphore_mem>>
      %dma_start3A_148 = arith.constant 0 : i32
      %dma_start3A_149 = tpu.memref_slice %arg11[%add3A_9, %dma_start3A_148] : memref<10240x72xf32, #tpu.memory_space<vmem_shared>> -> memref<128x72xf32, #tpu.memory_space<vmem_shared>>
      tpu.enqueue_dma source(%arg6 : memref<128x72xf32, #tpu.memory_space<hbm>>) target(%dma_start3A_149 : memref<128x72xf32, #tpu.memory_space<vmem_shared>>) target_semaphore(%run_scoped3A_147 : memref<!tpu.dma_semaphore, #tpu.memory_space<semaphore_mem>>)
      %dma_wait3A_150 = arith.constant 0 : i32
      %dma_wait3A_151 = tpu.memref_slice %arg11[%add3A_9, %dma_wait3A_150] : memref<10240x72xf32, #tpu.memory_space<vmem_shared>> -> memref<128x72xf32, #tpu.memory_space<vmem_shared>>
      tpu.wait_dma2 semaphore(%run_scoped3A_147 : memref<!tpu.dma_semaphore, #tpu.memory_space<semaphore_mem>>) src(%arg6 : memref<128x72xf32, #tpu.memory_space<hbm>>) dst(%dma_wait3A_151 : memref<128x72xf32, #tpu.memory_space<vmem_shared>>)
      tpu.yield
    }) : () -> ()
    %mul3A_10 = arith.constant 640 : i32
    %mul3A_11 = arith.muli %arg1, %mul3A_10 : i32
    %add3A_12 = arith.constant 384 : i32
    %add3A_13 = arith.addi %mul3A_11, %add3A_12 : i32
    "tpu.region"() ({
      %run_scoped3A_147 = tpu.sem_alloc : memref<!tpu.dma_semaphore, #tpu.memory_space<semaphore_mem>>
      %dma_start3A_148 = arith.constant 0 : i32
      %dma_start3A_149 = tpu.memref_slice %arg11[%add3A_13, %dma_start3A_148] : memref<10240x72xf32, #tpu.memory_space<vmem_shared>> -> memref<128x72xf32, #tpu.memory_space<vmem_shared>>
      tpu.enqueue_dma source(%arg6 : memref<128x72xf32, #tpu.memory_space<hbm>>) target(%dma_start3A_149 : memref<128x72xf32, #tpu.memory_space<vmem_shared>>) target_semaphore(%run_scoped3A_147 : memref<!tpu.dma_semaphore, #tpu.memory_space<semaphore_mem>>)
      %dma_wait3A_150 = arith.constant 0 : i32
      %dma_wait3A_151 = tpu.memref_slice %arg11[%add3A_13, %dma_wait3A_150] : memref<10240x72xf32, #tpu.memory_space<vmem_shared>> -> memref<128x72xf32, #tpu.memory_space<vmem_shared>>
      tpu.wait_dma2 semaphore(%run_scoped3A_147 : memref<!tpu.dma_semaphore, #tpu.memory_space<semaphore_mem>>) src(%arg6 : memref<128x72xf32, #tpu.memory_space<hbm>>) dst(%dma_wait3A_151 : memref<128x72xf32, #tpu.memory_space<vmem_shared>>)
      tpu.yield
    }) : () -> ()
    %mul3A_14 = arith.constant 640 : i32
    %mul3A_15 = arith.muli %arg1, %mul3A_14 : i32
    %add3A_16 = arith.constant 512 : i32
    %add3A_17 = arith.addi %mul3A_15, %add3A_16 : i32
    "tpu.region"() ({
      %run_scoped3A_147 = tpu.sem_alloc : memref<!tpu.dma_semaphore, #tpu.memory_space<semaphore_mem>>
      %dma_start3A_148 = arith.constant 0 : i32
      %dma_start3A_149 = tpu.memref_slice %arg11[%add3A_17, %dma_start3A_148] : memref<10240x72xf32, #tpu.memory_space<vmem_shared>> -> memref<128x72xf32, #tpu.memory_space<vmem_shared>>
      tpu.enqueue_dma source(%arg6 : memref<128x72xf32, #tpu.memory_space<hbm>>) target(%dma_start3A_149 : memref<128x72xf32, #tpu.memory_space<vmem_shared>>) target_semaphore(%run_scoped3A_147 : memref<!tpu.dma_semaphore, #tpu.memory_space<semaphore_mem>>)
      %dma_wait3A_150 = arith.constant 0 : i32
      %dma_wait3A_151 = tpu.memref_slice %arg11[%add3A_17, %dma_wait3A_150] : memref<10240x72xf32, #tpu.memory_space<vmem_shared>> -> memref<128x72xf32, #tpu.memory_space<vmem_shared>>
      tpu.wait_dma2 semaphore(%run_scoped3A_147 : memref<!tpu.dma_semaphore, #tpu.memory_space<semaphore_mem>>) src(%arg6 : memref<128x72xf32, #tpu.memory_space<hbm>>) dst(%dma_wait3A_151 : memref<128x72xf32, #tpu.memory_space<vmem_shared>>)
      tpu.yield
    }) : () -> ()
    %barrier3A = arith.constant 0 : index
    tpu.barrier barrier_id(%barrier3A)
    %dma_start3A = arith.constant 0 : i32
    %dma_start3A_18 = arith.constant 0 : i32
    %dma_start3A_19 = arith.constant 0 : i32
    %dma_start3A_20 = arith.constant 0 : i32
    %dma_start3A_21 = tpu.memref_slice %arg10[%dma_start3A_18, %dma_start3A_19, %dma_start3A_20] : memref<2x128x72xf32, #tpu.memory_space<vmem>> -> memref<1x128x72xf32, #tpu.memory_space<vmem>>
    %dma_start3A_22 = tpu.memref_squeeze %dma_start3A_21 : memref<1x128x72xf32, #tpu.memory_space<vmem>> -> memref<128x72xf32, #tpu.memory_space<vmem>>
    %dma_start3A_23 = arith.constant 0 : i32
    %dma_start3A_24 = tpu.memref_slice %arg8[%dma_start3A, %dma_start3A_23] : memref<79x128xi32, #tpu.memory_space<vmem>> -> memref<1x128xi32, #tpu.memory_space<vmem>>
    %dma_start3A_25 = tpu.memref_squeeze %dma_start3A_24 : memref<1x128xi32, #tpu.memory_space<vmem>> -> memref<128xi32, #tpu.memory_space<vmem>>
    %dma_start3A_26 = arith.constant 0 : i32
    %dma_start3A_27 = arith.constant 0 : i32
    %dma_start3A_28 = tpu.memref_slice %arg2[%dma_start3A_26, %dma_start3A_27] : memref<10000x72xf32, #tpu.memory_space<hbm>> -> memref<10000x72xf32, #tpu.memory_space<hbm>>
    tpu.enqueue_indirect_dma source(%dma_start3A_28 : memref<10000x72xf32, #tpu.memory_space<hbm>>) target(%dma_start3A_22 : memref<128x72xf32, #tpu.memory_space<vmem>>) offsets(%dma_start3A_25 : memref<128xi32, #tpu.memory_space<vmem>>) semaphore(%arg12 : memref<!tpu.dma_semaphore, #tpu.memory_space<semaphore_mem>>)
    %scan3A = arith.constant 0 : i32
    %scan3A_29 = arith.constant 0 : i32
    %scan3A_30 = arith.constant 79 : i32
    %scan3A_31 = arith.addi %scan3A_29, %scan3A_30 : i32
    %scan3A_32 = arith.constant 1 : i32
    scf.for %scan3A_147 = %scan3A_29 to %scan3A_31 step %scan3A_32  : i32 {
      %jit3A = arith.constant 2 : i32
      %eq3A = arith.constant 0 : i32
      %eq3A_148 = arith.cmpi eq, %jit3A, %eq3A : i32
      %jit3A_149 = arith.constant 1 : i32
      %select_n3A = arith.select %eq3A_148, %jit3A_149, %jit3A : i32
      %rem3A = arith.remsi %scan3A_147, %select_n3A : i32
      %ne3A = arith.constant 0 : i32
      %ne3A_150 = arith.cmpi ne, %rem3A, %ne3A : i32
      %lt3A = arith.constant 0 : i32
      %lt3A_151 = arith.cmpi slt, %rem3A, %lt3A : i32
      %lt3A_152 = arith.constant 0 : i32
      %lt3A_153 = arith.cmpi slt, %select_n3A, %lt3A_152 : i32
      %ne3A_154 = arith.xori %lt3A_151, %lt3A_153 : i1
      %and3A = arith.andi %ne3A_154, %ne3A_150 : i1
      %add3A_155 = arith.addi %rem3A, %select_n3A : i32
      %select_n3A_156 = arith.select %and3A, %add3A_155, %rem3A : i32
      %dma_wait3A_157 = arith.constant 0 : i32
      %dma_wait3A_158 = arith.constant 0 : i32
      %dma_wait3A_159 = tpu.memref_slice %arg10[%select_n3A_156, %dma_wait3A_157, %dma_wait3A_158] : memref<2x128x72xf32, #tpu.memory_space<vmem>> -> memref<1x128x72xf32, #tpu.memory_space<vmem>>
      %dma_wait3A_160 = tpu.memref_squeeze %dma_wait3A_159 : memref<1x128x72xf32, #tpu.memory_space<vmem>> -> memref<128x72xf32, #tpu.memory_space<vmem>>
      %dma_wait3A_161 = arith.constant 0 : i32
      %dma_wait3A_162 = tpu.memref_slice %arg8[%scan3A_147, %dma_wait3A_161] : memref<79x128xi32, #tpu.memory_space<vmem>> -> memref<1x128xi32, #tpu.memory_space<vmem>>
      %dma_wait3A_163 = tpu.memref_squeeze %dma_wait3A_162 : memref<1x128xi32, #tpu.memory_space<vmem>> -> memref<128xi32, #tpu.memory_space<vmem>>
      %dma_wait3A_164 = arith.constant 0 : i32
      %dma_wait3A_165 = arith.constant 0 : i32
      %dma_wait3A_166 = tpu.memref_slice %arg2[%dma_wait3A_164, %dma_wait3A_165] : memref<10000x72xf32, #tpu.memory_space<hbm>> -> memref<10000x72xf32, #tpu.memory_space<hbm>>
      tpu.wait_indirect_dma semaphore(%arg12 : memref<!tpu.dma_semaphore, #tpu.memory_space<semaphore_mem>>) src(%dma_wait3A_166 : memref<10000x72xf32, #tpu.memory_space<hbm>>) dst(%dma_wait3A_160 : memref<128x72xf32, #tpu.memory_space<vmem>>)
      %dma_start3A_167 = arith.constant 0 : i32
      %dma_start3A_168 = arith.constant 0 : i32
      %dma_start3A_169 = tpu.memref_slice %arg10[%select_n3A_156, %dma_start3A_167, %dma_start3A_168] : memref<2x128x72xf32, #tpu.memory_space<vmem>> -> memref<1x128x72xf32, #tpu.memory_space<vmem>>
      %dma_start3A_170 = tpu.memref_squeeze %dma_start3A_169 : memref<1x128x72xf32, #tpu.memory_space<vmem>> -> memref<128x72xf32, #tpu.memory_space<vmem>>
      %dma_start3A_171 = arith.constant 0 : i32
      %dma_start3A_172 = tpu.memref_slice %arg9[%scan3A_147, %dma_start3A_171] : memref<79x128xi32, #tpu.memory_space<vmem>> -> memref<1x128xi32, #tpu.memory_space<vmem>>
      %dma_start3A_173 = tpu.memref_squeeze %dma_start3A_172 : memref<1x128xi32, #tpu.memory_space<vmem>> -> memref<128xi32, #tpu.memory_space<vmem>>
      %dma_start3A_174 = arith.constant 0 : i32
      %dma_start3A_175 = arith.constant 0 : i32
      %dma_start3A_176 = tpu.memref_slice %arg11[%dma_start3A_174, %dma_start3A_175] : memref<10240x72xf32, #tpu.memory_space<vmem_shared>> -> memref<10240x72xf32, #tpu.memory_space<vmem_shared>>
      tpu.enqueue_indirect_dma source(%dma_start3A_170 : memref<128x72xf32, #tpu.memory_space<vmem>>) target(%dma_start3A_176 : memref<10240x72xf32, #tpu.memory_space<vmem_shared>>) offsets(%dma_start3A_173 : memref<128xi32, #tpu.memory_space<vmem>>) semaphore(%arg13 : memref<!tpu.dma_semaphore, #tpu.memory_space<semaphore_mem>>) {add = true}
      %ge3A = arith.constant 1 : i32
      %ge3A_177 = arith.cmpi sge, %scan3A_147, %ge3A : i32
      %convert_element_type3A = arith.extui %ge3A_177 : i1 to i32
      %cond3A = arith.constant 0 : i32
      %cond3A_178 = arith.cmpi ne, %convert_element_type3A, %cond3A : i32
      scf.if %cond3A_178 {
        %add3A_186 = arith.constant 1 : i32
        %add3A_187 = arith.addi %scan3A_147, %add3A_186 : i32
        %jit3A_188 = arith.constant 2 : i32
        %eq3A_189 = arith.constant 0 : i32
        %eq3A_190 = arith.cmpi eq, %jit3A_188, %eq3A_189 : i32
        %jit3A_191 = arith.constant 1 : i32
        %select_n3A_192 = arith.select %eq3A_190, %jit3A_191, %jit3A_188 : i32
        %rem3A_193 = arith.remsi %add3A_187, %select_n3A_192 : i32
        %ne3A_194 = arith.constant 0 : i32
        %ne3A_195 = arith.cmpi ne, %rem3A_193, %ne3A_194 : i32
        %lt3A_196 = arith.constant 0 : i32
        %lt3A_197 = arith.cmpi slt, %rem3A_193, %lt3A_196 : i32
        %lt3A_198 = arith.constant 0 : i32
        %lt3A_199 = arith.cmpi slt, %select_n3A_192, %lt3A_198 : i32
        %ne3A_200 = arith.xori %lt3A_197, %lt3A_199 : i1
        %and3A_201 = arith.andi %ne3A_200, %ne3A_195 : i1
        %add3A_202 = arith.addi %rem3A_193, %select_n3A_192 : i32
        %select_n3A_203 = arith.select %and3A_201, %add3A_202, %rem3A_193 : i32
        %sub3A = arith.constant 1 : i32
        %sub3A_204 = arith.subi %scan3A_147, %sub3A : i32
        %dma_wait3A_205 = arith.constant 0 : i32
        %dma_wait3A_206 = arith.constant 0 : i32
        %dma_wait3A_207 = tpu.memref_slice %arg10[%select_n3A_203, %dma_wait3A_205, %dma_wait3A_206] : memref<2x128x72xf32, #tpu.memory_space<vmem>> -> memref<1x128x72xf32, #tpu.memory_space<vmem>>
        %dma_wait3A_208 = tpu.memref_squeeze %dma_wait3A_207 : memref<1x128x72xf32, #tpu.memory_space<vmem>> -> memref<128x72xf32, #tpu.memory_space<vmem>>
        %dma_wait3A_209 = arith.constant 0 : i32
        %dma_wait3A_210 = tpu.memref_slice %arg9[%sub3A_204, %dma_wait3A_209] : memref<79x128xi32, #tpu.memory_space<vmem>> -> memref<1x128xi32, #tpu.memory_space<vmem>>
        %dma_wait3A_211 = tpu.memref_squeeze %dma_wait3A_210 : memref<1x128xi32, #tpu.memory_space<vmem>> -> memref<128xi32, #tpu.memory_space<vmem>>
        %dma_wait3A_212 = arith.constant 0 : i32
        %dma_wait3A_213 = arith.constant 0 : i32
        %dma_wait3A_214 = tpu.memref_slice %arg11[%dma_wait3A_212, %dma_wait3A_213] : memref<10240x72xf32, #tpu.memory_space<vmem_shared>> -> memref<10240x72xf32, #tpu.memory_space<vmem_shared>>
        tpu.wait_indirect_dma semaphore(%arg13 : memref<!tpu.dma_semaphore, #tpu.memory_space<semaphore_mem>>) src(%dma_wait3A_208 : memref<128x72xf32, #tpu.memory_space<vmem>>) dst(%dma_wait3A_214 : memref<10240x72xf32, #tpu.memory_space<vmem_shared>>)
      } else {
      }
      %add3A_179 = arith.constant 1 : i32
      %add3A_180 = arith.addi %scan3A_147, %add3A_179 : i32
      %lt3A_181 = arith.constant 79 : i32
      %lt3A_182 = arith.cmpi slt, %add3A_180, %lt3A_181 : i32
      %convert_element_type3A_183 = arith.extui %lt3A_182 : i1 to i32
      %cond3A_184 = arith.constant 0 : i32
      %cond3A_185 = arith.cmpi ne, %convert_element_type3A_183, %cond3A_184 : i32
      scf.if %cond3A_185 {
        %add3A_186 = arith.constant 1 : i32
        %add3A_187 = arith.addi %scan3A_147, %add3A_186 : i32
        %add3A_188 = arith.constant 1 : i32
        %add3A_189 = arith.addi %scan3A_147, %add3A_188 : i32
        %jit3A_190 = arith.constant 2 : i32
        %eq3A_191 = arith.constant 0 : i32
        %eq3A_192 = arith.cmpi eq, %jit3A_190, %eq3A_191 : i32
        %jit3A_193 = arith.constant 1 : i32
        %select_n3A_194 = arith.select %eq3A_192, %jit3A_193, %jit3A_190 : i32
        %rem3A_195 = arith.remsi %add3A_189, %select_n3A_194 : i32
        %ne3A_196 = arith.constant 0 : i32
        %ne3A_197 = arith.cmpi ne, %rem3A_195, %ne3A_196 : i32
        %lt3A_198 = arith.constant 0 : i32
        %lt3A_199 = arith.cmpi slt, %rem3A_195, %lt3A_198 : i32
        %lt3A_200 = arith.constant 0 : i32
        %lt3A_201 = arith.cmpi slt, %select_n3A_194, %lt3A_200 : i32
        %ne3A_202 = arith.xori %lt3A_199, %lt3A_201 : i1
        %and3A_203 = arith.andi %ne3A_202, %ne3A_197 : i1
        %add3A_204 = arith.addi %rem3A_195, %select_n3A_194 : i32
        %select_n3A_205 = arith.select %and3A_203, %add3A_204, %rem3A_195 : i32
        %dma_start3A_206 = arith.constant 0 : i32
        %dma_start3A_207 = arith.constant 0 : i32
        %dma_start3A_208 = tpu.memref_slice %arg10[%select_n3A_205, %dma_start3A_206, %dma_start3A_207] : memref<2x128x72xf32, #tpu.memory_space<vmem>> -> memref<1x128x72xf32, #tpu.memory_space<vmem>>
        %dma_start3A_209 = tpu.memref_squeeze %dma_start3A_208 : memref<1x128x72xf32, #tpu.memory_space<vmem>> -> memref<128x72xf32, #tpu.memory_space<vmem>>
        %dma_start3A_210 = arith.constant 0 : i32
        %dma_start3A_211 = tpu.memref_slice %arg8[%add3A_187, %dma_start3A_210] : memref<79x128xi32, #tpu.memory_space<vmem>> -> memref<1x128xi32, #tpu.memory_space<vmem>>
        %dma_start3A_212 = tpu.memref_squeeze %dma_start3A_211 : memref<1x128xi32, #tpu.memory_space<vmem>> -> memref<128xi32, #tpu.memory_space<vmem>>
        %dma_start3A_213 = arith.constant 0 : i32
        %dma_start3A_214 = arith.constant 0 : i32
        %dma_start3A_215 = tpu.memref_slice %arg2[%dma_start3A_213, %dma_start3A_214] : memref<10000x72xf32, #tpu.memory_space<hbm>> -> memref<10000x72xf32, #tpu.memory_space<hbm>>
        tpu.enqueue_indirect_dma source(%dma_start3A_215 : memref<10000x72xf32, #tpu.memory_space<hbm>>) target(%dma_start3A_209 : memref<128x72xf32, #tpu.memory_space<vmem>>) offsets(%dma_start3A_212 : memref<128xi32, #tpu.memory_space<vmem>>) semaphore(%arg12 : memref<!tpu.dma_semaphore, #tpu.memory_space<semaphore_mem>>)
      } else {
      }
    }
    %scan3A_33 = arith.constant 79 : i32
    %dma_wait3A = arith.constant 0 : i32
    %dma_wait3A_34 = arith.constant 78 : i32
    %dma_wait3A_35 = arith.constant 0 : i32
    %dma_wait3A_36 = arith.constant 0 : i32
    %dma_wait3A_37 = tpu.memref_slice %arg10[%dma_wait3A, %dma_wait3A_35, %dma_wait3A_36] : memref<2x128x72xf32, #tpu.memory_space<vmem>> -> memref<1x128x72xf32, #tpu.memory_space<vmem>>
    %dma_wait3A_38 = tpu.memref_squeeze %dma_wait3A_37 : memref<1x128x72xf32, #tpu.memory_space<vmem>> -> memref<128x72xf32, #tpu.memory_space<vmem>>
    %dma_wait3A_39 = arith.constant 0 : i32
    %dma_wait3A_40 = tpu.memref_slice %arg9[%dma_wait3A_34, %dma_wait3A_39] : memref<79x128xi32, #tpu.memory_space<vmem>> -> memref<1x128xi32, #tpu.memory_space<vmem>>
    %dma_wait3A_41 = tpu.memref_squeeze %dma_wait3A_40 : memref<1x128xi32, #tpu.memory_space<vmem>> -> memref<128xi32, #tpu.memory_space<vmem>>
    %dma_wait3A_42 = arith.constant 0 : i32
    %dma_wait3A_43 = arith.constant 0 : i32
    %dma_wait3A_44 = tpu.memref_slice %arg11[%dma_wait3A_42, %dma_wait3A_43] : memref<10240x72xf32, #tpu.memory_space<vmem_shared>> -> memref<10240x72xf32, #tpu.memory_space<vmem_shared>>
    tpu.wait_indirect_dma semaphore(%arg13 : memref<!tpu.dma_semaphore, #tpu.memory_space<semaphore_mem>>) src(%dma_wait3A_38 : memref<128x72xf32, #tpu.memory_space<vmem>>) dst(%dma_wait3A_44 : memref<10240x72xf32, #tpu.memory_space<vmem_shared>>)
    %barrier3A_45 = arith.constant 0 : index
    tpu.barrier barrier_id(%barrier3A_45)
    %mul3A_46 = arith.constant 640 : i32
    %mul3A_47 = arith.muli %arg1, %mul3A_46 : i32
    %add3A_48 = arith.constant 0 : i32
    %add3A_49 = arith.addi %mul3A_47, %add3A_48 : i32
    %run_scoped3A = arith.constant 0 : i32
    "tpu.region"() ({
      %run_scoped3A_147 = tpu.sem_alloc : memref<!tpu.dma_semaphore, #tpu.memory_space<semaphore_mem>>
      %dma_start3A_148 = arith.constant 0 : i32
      %dma_start3A_149 = tpu.memref_slice %arg7[%arg0, %run_scoped3A, %add3A_49, %dma_start3A_148] : memref<2x2x10240x72xf32, #tpu.memory_space<hbm>> -> memref<1x1x128x72xf32, #tpu.memory_space<hbm>>
      %dma_start3A_150 = tpu.memref_squeeze %dma_start3A_149 : memref<1x1x128x72xf32, #tpu.memory_space<hbm>> -> memref<128x72xf32, #tpu.memory_space<hbm>>
      %dma_start3A_151 = arith.constant 0 : i32
      %dma_start3A_152 = tpu.memref_slice %arg11[%add3A_49, %dma_start3A_151] : memref<10240x72xf32, #tpu.memory_space<vmem_shared>> -> memref<128x72xf32, #tpu.memory_space<vmem_shared>>
      tpu.enqueue_dma source(%dma_start3A_152 : memref<128x72xf32, #tpu.memory_space<vmem_shared>>) target(%dma_start3A_150 : memref<128x72xf32, #tpu.memory_space<hbm>>) target_semaphore(%run_scoped3A_147 : memref<!tpu.dma_semaphore, #tpu.memory_space<semaphore_mem>>)
      %dma_wait3A_153 = arith.constant 0 : i32
      %dma_wait3A_154 = tpu.memref_slice %arg7[%arg0, %run_scoped3A, %add3A_49, %dma_wait3A_153] : memref<2x2x10240x72xf32, #tpu.memory_space<hbm>> -> memref<1x1x128x72xf32, #tpu.memory_space<hbm>>
      %dma_wait3A_155 = tpu.memref_squeeze %dma_wait3A_154 : memref<1x1x128x72xf32, #tpu.memory_space<hbm>> -> memref<128x72xf32, #tpu.memory_space<hbm>>
      %dma_wait3A_156 = arith.constant 0 : i32
      %dma_wait3A_157 = tpu.memref_slice %arg11[%add3A_49, %dma_wait3A_156] : memref<10240x72xf32, #tpu.memory_space<vmem_shared>> -> memref<128x72xf32, #tpu.memory_space<vmem_shared>>
      tpu.wait_dma2 semaphore(%run_scoped3A_147 : memref<!tpu.dma_semaphore, #tpu.memory_space<semaphore_mem>>) src(%dma_wait3A_157 : memref<128x72xf32, #tpu.memory_space<vmem_shared>>) dst(%dma_wait3A_155 : memref<128x72xf32, #tpu.memory_space<hbm>>)
      tpu.yield
    }) : () -> ()
    %mul3A_50 = arith.constant 640 : i32
    %mul3A_51 = arith.muli %arg1, %mul3A_50 : i32
    %add3A_52 = arith.constant 128 : i32
    %add3A_53 = arith.addi %mul3A_51, %add3A_52 : i32
    %run_scoped3A_54 = arith.constant 0 : i32
    "tpu.region"() ({
      %run_scoped3A_147 = tpu.sem_alloc : memref<!tpu.dma_semaphore, #tpu.memory_space<semaphore_mem>>
      %dma_start3A_148 = arith.constant 0 : i32
      %dma_start3A_149 = tpu.memref_slice %arg7[%arg0, %run_scoped3A_54, %add3A_53, %dma_start3A_148] : memref<2x2x10240x72xf32, #tpu.memory_space<hbm>> -> memref<1x1x128x72xf32, #tpu.memory_space<hbm>>
      %dma_start3A_150 = tpu.memref_squeeze %dma_start3A_149 : memref<1x1x128x72xf32, #tpu.memory_space<hbm>> -> memref<128x72xf32, #tpu.memory_space<hbm>>
      %dma_start3A_151 = arith.constant 0 : i32
      %dma_start3A_152 = tpu.memref_slice %arg11[%add3A_53, %dma_start3A_151] : memref<10240x72xf32, #tpu.memory_space<vmem_shared>> -> memref<128x72xf32, #tpu.memory_space<vmem_shared>>
      tpu.enqueue_dma source(%dma_start3A_152 : memref<128x72xf32, #tpu.memory_space<vmem_shared>>) target(%dma_start3A_150 : memref<128x72xf32, #tpu.memory_space<hbm>>) target_semaphore(%run_scoped3A_147 : memref<!tpu.dma_semaphore, #tpu.memory_space<semaphore_mem>>)
      %dma_wait3A_153 = arith.constant 0 : i32
      %dma_wait3A_154 = tpu.memref_slice %arg7[%arg0, %run_scoped3A_54, %add3A_53, %dma_wait3A_153] : memref<2x2x10240x72xf32, #tpu.memory_space<hbm>> -> memref<1x1x128x72xf32, #tpu.memory_space<hbm>>
      %dma_wait3A_155 = tpu.memref_squeeze %dma_wait3A_154 : memref<1x1x128x72xf32, #tpu.memory_space<hbm>> -> memref<128x72xf32, #tpu.memory_space<hbm>>
      %dma_wait3A_156 = arith.constant 0 : i32
      %dma_wait3A_157 = tpu.memref_slice %arg11[%add3A_53, %dma_wait3A_156] : memref<10240x72xf32, #tpu.memory_space<vmem_shared>> -> memref<128x72xf32, #tpu.memory_space<vmem_shared>>
      tpu.wait_dma2 semaphore(%run_scoped3A_147 : memref<!tpu.dma_semaphore, #tpu.memory_space<semaphore_mem>>) src(%dma_wait3A_157 : memref<128x72xf32, #tpu.memory_space<vmem_shared>>) dst(%dma_wait3A_155 : memref<128x72xf32, #tpu.memory_space<hbm>>)
      tpu.yield
    }) : () -> ()
    %mul3A_55 = arith.constant 640 : i32
    %mul3A_56 = arith.muli %arg1, %mul3A_55 : i32
    %add3A_57 = arith.constant 256 : i32
    %add3A_58 = arith.addi %mul3A_56, %add3A_57 : i32
    %run_scoped3A_59 = arith.constant 0 : i32
    "tpu.region"() ({
      %run_scoped3A_147 = tpu.sem_alloc : memref<!tpu.dma_semaphore, #tpu.memory_space<semaphore_mem>>
      %dma_start3A_148 = arith.constant 0 : i32
      %dma_start3A_149 = tpu.memref_slice %arg7[%arg0, %run_scoped3A_59, %add3A_58, %dma_start3A_148] : memref<2x2x10240x72xf32, #tpu.memory_space<hbm>> -> memref<1x1x128x72xf32, #tpu.memory_space<hbm>>
      %dma_start3A_150 = tpu.memref_squeeze %dma_start3A_149 : memref<1x1x128x72xf32, #tpu.memory_space<hbm>> -> memref<128x72xf32, #tpu.memory_space<hbm>>
      %dma_start3A_151 = arith.constant 0 : i32
      %dma_start3A_152 = tpu.memref_slice %arg11[%add3A_58, %dma_start3A_151] : memref<10240x72xf32, #tpu.memory_space<vmem_shared>> -> memref<128x72xf32, #tpu.memory_space<vmem_shared>>
      tpu.enqueue_dma source(%dma_start3A_152 : memref<128x72xf32, #tpu.memory_space<vmem_shared>>) target(%dma_start3A_150 : memref<128x72xf32, #tpu.memory_space<hbm>>) target_semaphore(%run_scoped3A_147 : memref<!tpu.dma_semaphore, #tpu.memory_space<semaphore_mem>>)
      %dma_wait3A_153 = arith.constant 0 : i32
      %dma_wait3A_154 = tpu.memref_slice %arg7[%arg0, %run_scoped3A_59, %add3A_58, %dma_wait3A_153] : memref<2x2x10240x72xf32, #tpu.memory_space<hbm>> -> memref<1x1x128x72xf32, #tpu.memory_space<hbm>>
      %dma_wait3A_155 = tpu.memref_squeeze %dma_wait3A_154 : memref<1x1x128x72xf32, #tpu.memory_space<hbm>> -> memref<128x72xf32, #tpu.memory_space<hbm>>
      %dma_wait3A_156 = arith.constant 0 : i32
      %dma_wait3A_157 = tpu.memref_slice %arg11[%add3A_58, %dma_wait3A_156] : memref<10240x72xf32, #tpu.memory_space<vmem_shared>> -> memref<128x72xf32, #tpu.memory_space<vmem_shared>>
      tpu.wait_dma2 semaphore(%run_scoped3A_147 : memref<!tpu.dma_semaphore, #tpu.memory_space<semaphore_mem>>) src(%dma_wait3A_157 : memref<128x72xf32, #tpu.memory_space<vmem_shared>>) dst(%dma_wait3A_155 : memref<128x72xf32, #tpu.memory_space<hbm>>)
      tpu.yield
    }) : () -> ()
    %mul3A_60 = arith.constant 640 : i32
    %mul3A_61 = arith.muli %arg1, %mul3A_60 : i32
    %add3A_62 = arith.constant 384 : i32
    %add3A_63 = arith.addi %mul3A_61, %add3A_62 : i32
    %run_scoped3A_64 = arith.constant 0 : i32
    "tpu.region"() ({
      %run_scoped3A_147 = tpu.sem_alloc : memref<!tpu.dma_semaphore, #tpu.memory_space<semaphore_mem>>
      %dma_start3A_148 = arith.constant 0 : i32
      %dma_start3A_149 = tpu.memref_slice %arg7[%arg0, %run_scoped3A_64, %add3A_63, %dma_start3A_148] : memref<2x2x10240x72xf32, #tpu.memory_space<hbm>> -> memref<1x1x128x72xf32, #tpu.memory_space<hbm>>
      %dma_start3A_150 = tpu.memref_squeeze %dma_start3A_149 : memref<1x1x128x72xf32, #tpu.memory_space<hbm>> -> memref<128x72xf32, #tpu.memory_space<hbm>>
      %dma_start3A_151 = arith.constant 0 : i32
      %dma_start3A_152 = tpu.memref_slice %arg11[%add3A_63, %dma_start3A_151] : memref<10240x72xf32, #tpu.memory_space<vmem_shared>> -> memref<128x72xf32, #tpu.memory_space<vmem_shared>>
      tpu.enqueue_dma source(%dma_start3A_152 : memref<128x72xf32, #tpu.memory_space<vmem_shared>>) target(%dma_start3A_150 : memref<128x72xf32, #tpu.memory_space<hbm>>) target_semaphore(%run_scoped3A_147 : memref<!tpu.dma_semaphore, #tpu.memory_space<semaphore_mem>>)
      %dma_wait3A_153 = arith.constant 0 : i32
      %dma_wait3A_154 = tpu.memref_slice %arg7[%arg0, %run_scoped3A_64, %add3A_63, %dma_wait3A_153] : memref<2x2x10240x72xf32, #tpu.memory_space<hbm>> -> memref<1x1x128x72xf32, #tpu.memory_space<hbm>>
      %dma_wait3A_155 = tpu.memref_squeeze %dma_wait3A_154 : memref<1x1x128x72xf32, #tpu.memory_space<hbm>> -> memref<128x72xf32, #tpu.memory_space<hbm>>
      %dma_wait3A_156 = arith.constant 0 : i32
      %dma_wait3A_157 = tpu.memref_slice %arg11[%add3A_63, %dma_wait3A_156] : memref<10240x72xf32, #tpu.memory_space<vmem_shared>> -> memref<128x72xf32, #tpu.memory_space<vmem_shared>>
      tpu.wait_dma2 semaphore(%run_scoped3A_147 : memref<!tpu.dma_semaphore, #tpu.memory_space<semaphore_mem>>) src(%dma_wait3A_157 : memref<128x72xf32, #tpu.memory_space<vmem_shared>>) dst(%dma_wait3A_155 : memref<128x72xf32, #tpu.memory_space<hbm>>)
      tpu.yield
    }) : () -> ()
    %mul3A_65 = arith.constant 640 : i32
    %mul3A_66 = arith.muli %arg1, %mul3A_65 : i32
    %add3A_67 = arith.constant 512 : i32
    %add3A_68 = arith.addi %mul3A_66, %add3A_67 : i32
    %run_scoped3A_69 = arith.constant 0 : i32
    "tpu.region"() ({
      %run_scoped3A_147 = tpu.sem_alloc : memref<!tpu.dma_semaphore, #tpu.memory_space<semaphore_mem>>
      %dma_start3A_148 = arith.constant 0 : i32
      %dma_start3A_149 = tpu.memref_slice %arg7[%arg0, %run_scoped3A_69, %add3A_68, %dma_start3A_148] : memref<2x2x10240x72xf32, #tpu.memory_space<hbm>> -> memref<1x1x128x72xf32, #tpu.memory_space<hbm>>
      %dma_start3A_150 = tpu.memref_squeeze %dma_start3A_149 : memref<1x1x128x72xf32, #tpu.memory_space<hbm>> -> memref<128x72xf32, #tpu.memory_space<hbm>>
      %dma_start3A_151 = arith.constant 0 : i32
      %dma_start3A_152 = tpu.memref_slice %arg11[%add3A_68, %dma_start3A_151] : memref<10240x72xf32, #tpu.memory_space<vmem_shared>> -> memref<128x72xf32, #tpu.memory_space<vmem_shared>>
      tpu.enqueue_dma source(%dma_start3A_152 : memref<128x72xf32, #tpu.memory_space<vmem_shared>>) target(%dma_start3A_150 : memref<128x72xf32, #tpu.memory_space<hbm>>) target_semaphore(%run_scoped3A_147 : memref<!tpu.dma_semaphore, #tpu.memory_space<semaphore_mem>>)
      %dma_wait3A_153 = arith.constant 0 : i32
      %dma_wait3A_154 = tpu.memref_slice %arg7[%arg0, %run_scoped3A_69, %add3A_68, %dma_wait3A_153] : memref<2x2x10240x72xf32, #tpu.memory_space<hbm>> -> memref<1x1x128x72xf32, #tpu.memory_space<hbm>>
      %dma_wait3A_155 = tpu.memref_squeeze %dma_wait3A_154 : memref<1x1x128x72xf32, #tpu.memory_space<hbm>> -> memref<128x72xf32, #tpu.memory_space<hbm>>
      %dma_wait3A_156 = arith.constant 0 : i32
      %dma_wait3A_157 = tpu.memref_slice %arg11[%add3A_68, %dma_wait3A_156] : memref<10240x72xf32, #tpu.memory_space<vmem_shared>> -> memref<128x72xf32, #tpu.memory_space<vmem_shared>>
      tpu.wait_dma2 semaphore(%run_scoped3A_147 : memref<!tpu.dma_semaphore, #tpu.memory_space<semaphore_mem>>) src(%dma_wait3A_157 : memref<128x72xf32, #tpu.memory_space<vmem_shared>>) dst(%dma_wait3A_155 : memref<128x72xf32, #tpu.memory_space<hbm>>)
      tpu.yield
    }) : () -> ()
    %mul3A_70 = arith.constant 640 : i32
    %mul3A_71 = arith.muli %arg1, %mul3A_70 : i32
    %add3A_72 = arith.constant 0 : i32
    %add3A_73 = arith.addi %mul3A_71, %add3A_72 : i32
    "tpu.region"() ({
      %run_scoped3A_147 = tpu.sem_alloc : memref<!tpu.dma_semaphore, #tpu.memory_space<semaphore_mem>>
      %dma_start3A_148 = arith.constant 0 : i32
      %dma_start3A_149 = tpu.memref_slice %arg11[%add3A_73, %dma_start3A_148] : memref<10240x72xf32, #tpu.memory_space<vmem_shared>> -> memref<128x72xf32, #tpu.memory_space<vmem_shared>>
      tpu.enqueue_dma source(%arg6 : memref<128x72xf32, #tpu.memory_space<hbm>>) target(%dma_start3A_149 : memref<128x72xf32, #tpu.memory_space<vmem_shared>>) target_semaphore(%run_scoped3A_147 : memref<!tpu.dma_semaphore, #tpu.memory_space<semaphore_mem>>)
      %dma_wait3A_150 = arith.constant 0 : i32
      %dma_wait3A_151 = tpu.memref_slice %arg11[%add3A_73, %dma_wait3A_150] : memref<10240x72xf32, #tpu.memory_space<vmem_shared>> -> memref<128x72xf32, #tpu.memory_space<vmem_shared>>
      tpu.wait_dma2 semaphore(%run_scoped3A_147 : memref<!tpu.dma_semaphore, #tpu.memory_space<semaphore_mem>>) src(%arg6 : memref<128x72xf32, #tpu.memory_space<hbm>>) dst(%dma_wait3A_151 : memref<128x72xf32, #tpu.memory_space<vmem_shared>>)
      tpu.yield
    }) : () -> ()
    %mul3A_74 = arith.constant 640 : i32
    %mul3A_75 = arith.muli %arg1, %mul3A_74 : i32
    %add3A_76 = arith.constant 128 : i32
    %add3A_77 = arith.addi %mul3A_75, %add3A_76 : i32
    "tpu.region"() ({
      %run_scoped3A_147 = tpu.sem_alloc : memref<!tpu.dma_semaphore, #tpu.memory_space<semaphore_mem>>
      %dma_start3A_148 = arith.constant 0 : i32
      %dma_start3A_149 = tpu.memref_slice %arg11[%add3A_77, %dma_start3A_148] : memref<10240x72xf32, #tpu.memory_space<vmem_shared>> -> memref<128x72xf32, #tpu.memory_space<vmem_shared>>
      tpu.enqueue_dma source(%arg6 : memref<128x72xf32, #tpu.memory_space<hbm>>) target(%dma_start3A_149 : memref<128x72xf32, #tpu.memory_space<vmem_shared>>) target_semaphore(%run_scoped3A_147 : memref<!tpu.dma_semaphore, #tpu.memory_space<semaphore_mem>>)
      %dma_wait3A_150 = arith.constant 0 : i32
      %dma_wait3A_151 = tpu.memref_slice %arg11[%add3A_77, %dma_wait3A_150] : memref<10240x72xf32, #tpu.memory_space<vmem_shared>> -> memref<128x72xf32, #tpu.memory_space<vmem_shared>>
      tpu.wait_dma2 semaphore(%run_scoped3A_147 : memref<!tpu.dma_semaphore, #tpu.memory_space<semaphore_mem>>) src(%arg6 : memref<128x72xf32, #tpu.memory_space<hbm>>) dst(%dma_wait3A_151 : memref<128x72xf32, #tpu.memory_space<vmem_shared>>)
      tpu.yield
    }) : () -> ()
    %mul3A_78 = arith.constant 640 : i32
    %mul3A_79 = arith.muli %arg1, %mul3A_78 : i32
    %add3A_80 = arith.constant 256 : i32
    %add3A_81 = arith.addi %mul3A_79, %add3A_80 : i32
    "tpu.region"() ({
      %run_scoped3A_147 = tpu.sem_alloc : memref<!tpu.dma_semaphore, #tpu.memory_space<semaphore_mem>>
      %dma_start3A_148 = arith.constant 0 : i32
      %dma_start3A_149 = tpu.memref_slice %arg11[%add3A_81, %dma_start3A_148] : memref<10240x72xf32, #tpu.memory_space<vmem_shared>> -> memref<128x72xf32, #tpu.memory_space<vmem_shared>>
      tpu.enqueue_dma source(%arg6 : memref<128x72xf32, #tpu.memory_space<hbm>>) target(%dma_start3A_149 : memref<128x72xf32, #tpu.memory_space<vmem_shared>>) target_semaphore(%run_scoped3A_147 : memref<!tpu.dma_semaphore, #tpu.memory_space<semaphore_mem>>)
      %dma_wait3A_150 = arith.constant 0 : i32
      %dma_wait3A_151 = tpu.memref_slice %arg11[%add3A_81, %dma_wait3A_150] : memref<10240x72xf32, #tpu.memory_space<vmem_shared>> -> memref<128x72xf32, #tpu.memory_space<vmem_shared>>
      tpu.wait_dma2 semaphore(%run_scoped3A_147 : memref<!tpu.dma_semaphore, #tpu.memory_space<semaphore_mem>>) src(%arg6 : memref<128x72xf32, #tpu.memory_space<hbm>>) dst(%dma_wait3A_151 : memref<128x72xf32, #tpu.memory_space<vmem_shared>>)
      tpu.yield
    }) : () -> ()
    %mul3A_82 = arith.constant 640 : i32
    %mul3A_83 = arith.muli %arg1, %mul3A_82 : i32
    %add3A_84 = arith.constant 384 : i32
    %add3A_85 = arith.addi %mul3A_83, %add3A_84 : i32
    "tpu.region"() ({
      %run_scoped3A_147 = tpu.sem_alloc : memref<!tpu.dma_semaphore, #tpu.memory_space<semaphore_mem>>
      %dma_start3A_148 = arith.constant 0 : i32
      %dma_start3A_149 = tpu.memref_slice %arg11[%add3A_85, %dma_start3A_148] : memref<10240x72xf32, #tpu.memory_space<vmem_shared>> -> memref<128x72xf32, #tpu.memory_space<vmem_shared>>
      tpu.enqueue_dma source(%arg6 : memref<128x72xf32, #tpu.memory_space<hbm>>) target(%dma_start3A_149 : memref<128x72xf32, #tpu.memory_space<vmem_shared>>) target_semaphore(%run_scoped3A_147 : memref<!tpu.dma_semaphore, #tpu.memory_space<semaphore_mem>>)
      %dma_wait3A_150 = arith.constant 0 : i32
      %dma_wait3A_151 = tpu.memref_slice %arg11[%add3A_85, %dma_wait3A_150] : memref<10240x72xf32, #tpu.memory_space<vmem_shared>> -> memref<128x72xf32, #tpu.memory_space<vmem_shared>>
      tpu.wait_dma2 semaphore(%run_scoped3A_147 : memref<!tpu.dma_semaphore, #tpu.memory_space<semaphore_mem>>) src(%arg6 : memref<128x72xf32, #tpu.memory_space<hbm>>) dst(%dma_wait3A_151 : memref<128x72xf32, #tpu.memory_space<vmem_shared>>)
      tpu.yield
    }) : () -> ()
    %mul3A_86 = arith.constant 640 : i32
    %mul3A_87 = arith.muli %arg1, %mul3A_86 : i32
    %add3A_88 = arith.constant 512 : i32
    %add3A_89 = arith.addi %mul3A_87, %add3A_88 : i32
    "tpu.region"() ({
      %run_scoped3A_147 = tpu.sem_alloc : memref<!tpu.dma_semaphore, #tpu.memory_space<semaphore_mem>>
      %dma_start3A_148 = arith.constant 0 : i32
      %dma_start3A_149 = tpu.memref_slice %arg11[%add3A_89, %dma_start3A_148] : memref<10240x72xf32, #tpu.memory_space<vmem_shared>> -> memref<128x72xf32, #tpu.memory_space<vmem_shared>>
      tpu.enqueue_dma source(%arg6 : memref<128x72xf32, #tpu.memory_space<hbm>>) target(%dma_start3A_149 : memref<128x72xf32, #tpu.memory_space<vmem_shared>>) target_semaphore(%run_scoped3A_147 : memref<!tpu.dma_semaphore, #tpu.memory_space<semaphore_mem>>)
      %dma_wait3A_150 = arith.constant 0 : i32
      %dma_wait3A_151 = tpu.memref_slice %arg11[%add3A_89, %dma_wait3A_150] : memref<10240x72xf32, #tpu.memory_space<vmem_shared>> -> memref<128x72xf32, #tpu.memory_space<vmem_shared>>
      tpu.wait_dma2 semaphore(%run_scoped3A_147 : memref<!tpu.dma_semaphore, #tpu.memory_space<semaphore_mem>>) src(%arg6 : memref<128x72xf32, #tpu.memory_space<hbm>>) dst(%dma_wait3A_151 : memref<128x72xf32, #tpu.memory_space<vmem_shared>>)
      tpu.yield
    }) : () -> ()
    %barrier3A_90 = arith.constant 0 : index
    tpu.barrier barrier_id(%barrier3A_90)
    %dma_start3A_91 = arith.constant 0 : i32
    %dma_start3A_92 = arith.constant 0 : i32
    %dma_start3A_93 = arith.constant 0 : i32
    %dma_start3A_94 = arith.constant 0 : i32
    %dma_start3A_95 = tpu.memref_slice %arg10[%dma_start3A_92, %dma_start3A_93, %dma_start3A_94] : memref<2x128x72xf32, #tpu.memory_space<vmem>> -> memref<1x128x72xf32, #tpu.memory_space<vmem>>
    %dma_start3A_96 = tpu.memref_squeeze %dma_start3A_95 : memref<1x128x72xf32, #tpu.memory_space<vmem>> -> memref<128x72xf32, #tpu.memory_space<vmem>>
    %dma_start3A_97 = arith.constant 0 : i32
    %dma_start3A_98 = tpu.memref_slice %arg8[%dma_start3A_91, %dma_start3A_97] : memref<79x128xi32, #tpu.memory_space<vmem>> -> memref<1x128xi32, #tpu.memory_space<vmem>>
    %dma_start3A_99 = tpu.memref_squeeze %dma_start3A_98 : memref<1x128xi32, #tpu.memory_space<vmem>> -> memref<128xi32, #tpu.memory_space<vmem>>
    %dma_start3A_100 = arith.constant 0 : i32
    %dma_start3A_101 = arith.constant 0 : i32
    %dma_start3A_102 = tpu.memref_slice %arg3[%dma_start3A_100, %dma_start3A_101] : memref<10000x72xf32, #tpu.memory_space<hbm>> -> memref<10000x72xf32, #tpu.memory_space<hbm>>
    tpu.enqueue_indirect_dma source(%dma_start3A_102 : memref<10000x72xf32, #tpu.memory_space<hbm>>) target(%dma_start3A_96 : memref<128x72xf32, #tpu.memory_space<vmem>>) offsets(%dma_start3A_99 : memref<128xi32, #tpu.memory_space<vmem>>) semaphore(%arg12 : memref<!tpu.dma_semaphore, #tpu.memory_space<semaphore_mem>>)
    %scan3A_103 = arith.constant 0 : i32
    %scan3A_104 = arith.constant 0 : i32
    %scan3A_105 = arith.constant 79 : i32
    %scan3A_106 = arith.addi %scan3A_104, %scan3A_105 : i32
    %scan3A_107 = arith.constant 1 : i32
    scf.for %scan3A_147 = %scan3A_104 to %scan3A_106 step %scan3A_107  : i32 {
      %jit3A = arith.constant 2 : i32
      %eq3A = arith.constant 0 : i32
      %eq3A_148 = arith.cmpi eq, %jit3A, %eq3A : i32
      %jit3A_149 = arith.constant 1 : i32
      %select_n3A = arith.select %eq3A_148, %jit3A_149, %jit3A : i32
      %rem3A = arith.remsi %scan3A_147, %select_n3A : i32
      %ne3A = arith.constant 0 : i32
      %ne3A_150 = arith.cmpi ne, %rem3A, %ne3A : i32
      %lt3A = arith.constant 0 : i32
      %lt3A_151 = arith.cmpi slt, %rem3A, %lt3A : i32
      %lt3A_152 = arith.constant 0 : i32
      %lt3A_153 = arith.cmpi slt, %select_n3A, %lt3A_152 : i32
      %ne3A_154 = arith.xori %lt3A_151, %lt3A_153 : i1
      %and3A = arith.andi %ne3A_154, %ne3A_150 : i1
      %add3A_155 = arith.addi %rem3A, %select_n3A : i32
      %select_n3A_156 = arith.select %and3A, %add3A_155, %rem3A : i32
      %dma_wait3A_157 = arith.constant 0 : i32
      %dma_wait3A_158 = arith.constant 0 : i32
      %dma_wait3A_159 = tpu.memref_slice %arg10[%select_n3A_156, %dma_wait3A_157, %dma_wait3A_158] : memref<2x128x72xf32, #tpu.memory_space<vmem>> -> memref<1x128x72xf32, #tpu.memory_space<vmem>>
      %dma_wait3A_160 = tpu.memref_squeeze %dma_wait3A_159 : memref<1x128x72xf32, #tpu.memory_space<vmem>> -> memref<128x72xf32, #tpu.memory_space<vmem>>
      %dma_wait3A_161 = arith.constant 0 : i32
      %dma_wait3A_162 = tpu.memref_slice %arg8[%scan3A_147, %dma_wait3A_161] : memref<79x128xi32, #tpu.memory_space<vmem>> -> memref<1x128xi32, #tpu.memory_space<vmem>>
      %dma_wait3A_163 = tpu.memref_squeeze %dma_wait3A_162 : memref<1x128xi32, #tpu.memory_space<vmem>> -> memref<128xi32, #tpu.memory_space<vmem>>
      %dma_wait3A_164 = arith.constant 0 : i32
      %dma_wait3A_165 = arith.constant 0 : i32
      %dma_wait3A_166 = tpu.memref_slice %arg3[%dma_wait3A_164, %dma_wait3A_165] : memref<10000x72xf32, #tpu.memory_space<hbm>> -> memref<10000x72xf32, #tpu.memory_space<hbm>>
      tpu.wait_indirect_dma semaphore(%arg12 : memref<!tpu.dma_semaphore, #tpu.memory_space<semaphore_mem>>) src(%dma_wait3A_166 : memref<10000x72xf32, #tpu.memory_space<hbm>>) dst(%dma_wait3A_160 : memref<128x72xf32, #tpu.memory_space<vmem>>)
      %dma_start3A_167 = arith.constant 0 : i32
      %dma_start3A_168 = arith.constant 0 : i32
      %dma_start3A_169 = tpu.memref_slice %arg10[%select_n3A_156, %dma_start3A_167, %dma_start3A_168] : memref<2x128x72xf32, #tpu.memory_space<vmem>> -> memref<1x128x72xf32, #tpu.memory_space<vmem>>
      %dma_start3A_170 = tpu.memref_squeeze %dma_start3A_169 : memref<1x128x72xf32, #tpu.memory_space<vmem>> -> memref<128x72xf32, #tpu.memory_space<vmem>>
      %dma_start3A_171 = arith.constant 0 : i32
      %dma_start3A_172 = tpu.memref_slice %arg9[%scan3A_147, %dma_start3A_171] : memref<79x128xi32, #tpu.memory_space<vmem>> -> memref<1x128xi32, #tpu.memory_space<vmem>>
      %dma_start3A_173 = tpu.memref_squeeze %dma_start3A_172 : memref<1x128xi32, #tpu.memory_space<vmem>> -> memref<128xi32, #tpu.memory_space<vmem>>
      %dma_start3A_174 = arith.constant 0 : i32
      %dma_start3A_175 = arith.constant 0 : i32
      %dma_start3A_176 = tpu.memref_slice %arg11[%dma_start3A_174, %dma_start3A_175] : memref<10240x72xf32, #tpu.memory_space<vmem_shared>> -> memref<10240x72xf32, #tpu.memory_space<vmem_shared>>
      tpu.enqueue_indirect_dma source(%dma_start3A_170 : memref<128x72xf32, #tpu.memory_space<vmem>>) target(%dma_start3A_176 : memref<10240x72xf32, #tpu.memory_space<vmem_shared>>) offsets(%dma_start3A_173 : memref<128xi32, #tpu.memory_space<vmem>>) semaphore(%arg13 : memref<!tpu.dma_semaphore, #tpu.memory_space<semaphore_mem>>) {add = true}
      %ge3A = arith.constant 1 : i32
      %ge3A_177 = arith.cmpi sge, %scan3A_147, %ge3A : i32
      %convert_element_type3A = arith.extui %ge3A_177 : i1 to i32
      %cond3A = arith.constant 0 : i32
      %cond3A_178 = arith.cmpi ne, %convert_element_type3A, %cond3A : i32
      scf.if %cond3A_178 {
        %add3A_186 = arith.constant 1 : i32
        %add3A_187 = arith.addi %scan3A_147, %add3A_186 : i32
        %jit3A_188 = arith.constant 2 : i32
        %eq3A_189 = arith.constant 0 : i32
        %eq3A_190 = arith.cmpi eq, %jit3A_188, %eq3A_189 : i32
        %jit3A_191 = arith.constant 1 : i32
        %select_n3A_192 = arith.select %eq3A_190, %jit3A_191, %jit3A_188 : i32
        %rem3A_193 = arith.remsi %add3A_187, %select_n3A_192 : i32
        %ne3A_194 = arith.constant 0 : i32
        %ne3A_195 = arith.cmpi ne, %rem3A_193, %ne3A_194 : i32
        %lt3A_196 = arith.constant 0 : i32
        %lt3A_197 = arith.cmpi slt, %rem3A_193, %lt3A_196 : i32
        %lt3A_198 = arith.constant 0 : i32
        %lt3A_199 = arith.cmpi slt, %select_n3A_192, %lt3A_198 : i32
        %ne3A_200 = arith.xori %lt3A_197, %lt3A_199 : i1
        %and3A_201 = arith.andi %ne3A_200, %ne3A_195 : i1
        %add3A_202 = arith.addi %rem3A_193, %select_n3A_192 : i32
        %select_n3A_203 = arith.select %and3A_201, %add3A_202, %rem3A_193 : i32
        %sub3A = arith.constant 1 : i32
        %sub3A_204 = arith.subi %scan3A_147, %sub3A : i32
        %dma_wait3A_205 = arith.constant 0 : i32
        %dma_wait3A_206 = arith.constant 0 : i32
        %dma_wait3A_207 = tpu.memref_slice %arg10[%select_n3A_203, %dma_wait3A_205, %dma_wait3A_206] : memref<2x128x72xf32, #tpu.memory_space<vmem>> -> memref<1x128x72xf32, #tpu.memory_space<vmem>>
        %dma_wait3A_208 = tpu.memref_squeeze %dma_wait3A_207 : memref<1x128x72xf32, #tpu.memory_space<vmem>> -> memref<128x72xf32, #tpu.memory_space<vmem>>
        %dma_wait3A_209 = arith.constant 0 : i32
        %dma_wait3A_210 = tpu.memref_slice %arg9[%sub3A_204, %dma_wait3A_209] : memref<79x128xi32, #tpu.memory_space<vmem>> -> memref<1x128xi32, #tpu.memory_space<vmem>>
        %dma_wait3A_211 = tpu.memref_squeeze %dma_wait3A_210 : memref<1x128xi32, #tpu.memory_space<vmem>> -> memref<128xi32, #tpu.memory_space<vmem>>
        %dma_wait3A_212 = arith.constant 0 : i32
        %dma_wait3A_213 = arith.constant 0 : i32
        %dma_wait3A_214 = tpu.memref_slice %arg11[%dma_wait3A_212, %dma_wait3A_213] : memref<10240x72xf32, #tpu.memory_space<vmem_shared>> -> memref<10240x72xf32, #tpu.memory_space<vmem_shared>>
        tpu.wait_indirect_dma semaphore(%arg13 : memref<!tpu.dma_semaphore, #tpu.memory_space<semaphore_mem>>) src(%dma_wait3A_208 : memref<128x72xf32, #tpu.memory_space<vmem>>) dst(%dma_wait3A_214 : memref<10240x72xf32, #tpu.memory_space<vmem_shared>>)
      } else {
      }
      %add3A_179 = arith.constant 1 : i32
      %add3A_180 = arith.addi %scan3A_147, %add3A_179 : i32
      %lt3A_181 = arith.constant 79 : i32
      %lt3A_182 = arith.cmpi slt, %add3A_180, %lt3A_181 : i32
      %convert_element_type3A_183 = arith.extui %lt3A_182 : i1 to i32
      %cond3A_184 = arith.constant 0 : i32
      %cond3A_185 = arith.cmpi ne, %convert_element_type3A_183, %cond3A_184 : i32
      scf.if %cond3A_185 {
        %add3A_186 = arith.constant 1 : i32
        %add3A_187 = arith.addi %scan3A_147, %add3A_186 : i32
        %add3A_188 = arith.constant 1 : i32
        %add3A_189 = arith.addi %scan3A_147, %add3A_188 : i32
        %jit3A_190 = arith.constant 2 : i32
        %eq3A_191 = arith.constant 0 : i32
        %eq3A_192 = arith.cmpi eq, %jit3A_190, %eq3A_191 : i32
        %jit3A_193 = arith.constant 1 : i32
        %select_n3A_194 = arith.select %eq3A_192, %jit3A_193, %jit3A_190 : i32
        %rem3A_195 = arith.remsi %add3A_189, %select_n3A_194 : i32
        %ne3A_196 = arith.constant 0 : i32
        %ne3A_197 = arith.cmpi ne, %rem3A_195, %ne3A_196 : i32
        %lt3A_198 = arith.constant 0 : i32
        %lt3A_199 = arith.cmpi slt, %rem3A_195, %lt3A_198 : i32
        %lt3A_200 = arith.constant 0 : i32
        %lt3A_201 = arith.cmpi slt, %select_n3A_194, %lt3A_200 : i32
        %ne3A_202 = arith.xori %lt3A_199, %lt3A_201 : i1
        %and3A_203 = arith.andi %ne3A_202, %ne3A_197 : i1
        %add3A_204 = arith.addi %rem3A_195, %select_n3A_194 : i32
        %select_n3A_205 = arith.select %and3A_203, %add3A_204, %rem3A_195 : i32
        %dma_start3A_206 = arith.constant 0 : i32
        %dma_start3A_207 = arith.constant 0 : i32
        %dma_start3A_208 = tpu.memref_slice %arg10[%select_n3A_205, %dma_start3A_206, %dma_start3A_207] : memref<2x128x72xf32, #tpu.memory_space<vmem>> -> memref<1x128x72xf32, #tpu.memory_space<vmem>>
        %dma_start3A_209 = tpu.memref_squeeze %dma_start3A_208 : memref<1x128x72xf32, #tpu.memory_space<vmem>> -> memref<128x72xf32, #tpu.memory_space<vmem>>
        %dma_start3A_210 = arith.constant 0 : i32
        %dma_start3A_211 = tpu.memref_slice %arg8[%add3A_187, %dma_start3A_210] : memref<79x128xi32, #tpu.memory_space<vmem>> -> memref<1x128xi32, #tpu.memory_space<vmem>>
        %dma_start3A_212 = tpu.memref_squeeze %dma_start3A_211 : memref<1x128xi32, #tpu.memory_space<vmem>> -> memref<128xi32, #tpu.memory_space<vmem>>
        %dma_start3A_213 = arith.constant 0 : i32
        %dma_start3A_214 = arith.constant 0 : i32
        %dma_start3A_215 = tpu.memref_slice %arg3[%dma_start3A_213, %dma_start3A_214] : memref<10000x72xf32, #tpu.memory_space<hbm>> -> memref<10000x72xf32, #tpu.memory_space<hbm>>
        tpu.enqueue_indirect_dma source(%dma_start3A_215 : memref<10000x72xf32, #tpu.memory_space<hbm>>) target(%dma_start3A_209 : memref<128x72xf32, #tpu.memory_space<vmem>>) offsets(%dma_start3A_212 : memref<128xi32, #tpu.memory_space<vmem>>) semaphore(%arg12 : memref<!tpu.dma_semaphore, #tpu.memory_space<semaphore_mem>>)
      } else {
      }
    }
    %scan3A_108 = arith.constant 79 : i32
    %dma_wait3A_109 = arith.constant 0 : i32
    %dma_wait3A_110 = arith.constant 78 : i32
    %dma_wait3A_111 = arith.constant 0 : i32
    %dma_wait3A_112 = arith.constant 0 : i32
    %dma_wait3A_113 = tpu.memref_slice %arg10[%dma_wait3A_109, %dma_wait3A_111, %dma_wait3A_112] : memref<2x128x72xf32, #tpu.memory_space<vmem>> -> memref<1x128x72xf32, #tpu.memory_space<vmem>>
    %dma_wait3A_114 = tpu.memref_squeeze %dma_wait3A_113 : memref<1x128x72xf32, #tpu.memory_space<vmem>> -> memref<128x72xf32, #tpu.memory_space<vmem>>
    %dma_wait3A_115 = arith.constant 0 : i32
    %dma_wait3A_116 = tpu.memref_slice %arg9[%dma_wait3A_110, %dma_wait3A_115] : memref<79x128xi32, #tpu.memory_space<vmem>> -> memref<1x128xi32, #tpu.memory_space<vmem>>
    %dma_wait3A_117 = tpu.memref_squeeze %dma_wait3A_116 : memref<1x128xi32, #tpu.memory_space<vmem>> -> memref<128xi32, #tpu.memory_space<vmem>>
    %dma_wait3A_118 = arith.constant 0 : i32
    %dma_wait3A_119 = arith.constant 0 : i32
    %dma_wait3A_120 = tpu.memref_slice %arg11[%dma_wait3A_118, %dma_wait3A_119] : memref<10240x72xf32, #tpu.memory_space<vmem_shared>> -> memref<10240x72xf32, #tpu.memory_space<vmem_shared>>
    tpu.wait_indirect_dma semaphore(%arg13 : memref<!tpu.dma_semaphore, #tpu.memory_space<semaphore_mem>>) src(%dma_wait3A_114 : memref<128x72xf32, #tpu.memory_space<vmem>>) dst(%dma_wait3A_120 : memref<10240x72xf32, #tpu.memory_space<vmem_shared>>)
    %barrier3A_121 = arith.constant 0 : index
    tpu.barrier barrier_id(%barrier3A_121)
    %mul3A_122 = arith.constant 640 : i32
    %mul3A_123 = arith.muli %arg1, %mul3A_122 : i32
    %add3A_124 = arith.constant 0 : i32
    %add3A_125 = arith.addi %mul3A_123, %add3A_124 : i32
    %run_scoped3A_126 = arith.constant 1 : i32
    "tpu.region"() ({
      %run_scoped3A_147 = tpu.sem_alloc : memref<!tpu.dma_semaphore, #tpu.memory_space<semaphore_mem>>
      %dma_start3A_148 = arith.constant 0 : i32
      %dma_start3A_149 = tpu.memref_slice %arg7[%arg0, %run_scoped3A_126, %add3A_125, %dma_start3A_148] : memref<2x2x10240x72xf32, #tpu.memory_space<hbm>> -> memref<1x1x128x72xf32, #tpu.memory_space<hbm>>
      %dma_start3A_150 = tpu.memref_squeeze %dma_start3A_149 : memref<1x1x128x72xf32, #tpu.memory_space<hbm>> -> memref<128x72xf32, #tpu.memory_space<hbm>>
      %dma_start3A_151 = arith.constant 0 : i32
      %dma_start3A_152 = tpu.memref_slice %arg11[%add3A_125, %dma_start3A_151] : memref<10240x72xf32, #tpu.memory_space<vmem_shared>> -> memref<128x72xf32, #tpu.memory_space<vmem_shared>>
      tpu.enqueue_dma source(%dma_start3A_152 : memref<128x72xf32, #tpu.memory_space<vmem_shared>>) target(%dma_start3A_150 : memref<128x72xf32, #tpu.memory_space<hbm>>) target_semaphore(%run_scoped3A_147 : memref<!tpu.dma_semaphore, #tpu.memory_space<semaphore_mem>>)
      %dma_wait3A_153 = arith.constant 0 : i32
      %dma_wait3A_154 = tpu.memref_slice %arg7[%arg0, %run_scoped3A_126, %add3A_125, %dma_wait3A_153] : memref<2x2x10240x72xf32, #tpu.memory_space<hbm>> -> memref<1x1x128x72xf32, #tpu.memory_space<hbm>>
      %dma_wait3A_155 = tpu.memref_squeeze %dma_wait3A_154 : memref<1x1x128x72xf32, #tpu.memory_space<hbm>> -> memref<128x72xf32, #tpu.memory_space<hbm>>
      %dma_wait3A_156 = arith.constant 0 : i32
      %dma_wait3A_157 = tpu.memref_slice %arg11[%add3A_125, %dma_wait3A_156] : memref<10240x72xf32, #tpu.memory_space<vmem_shared>> -> memref<128x72xf32, #tpu.memory_space<vmem_shared>>
      tpu.wait_dma2 semaphore(%run_scoped3A_147 : memref<!tpu.dma_semaphore, #tpu.memory_space<semaphore_mem>>) src(%dma_wait3A_157 : memref<128x72xf32, #tpu.memory_space<vmem_shared>>) dst(%dma_wait3A_155 : memref<128x72xf32, #tpu.memory_space<hbm>>)
      tpu.yield
    }) : () -> ()
    %mul3A_127 = arith.constant 640 : i32
    %mul3A_128 = arith.muli %arg1, %mul3A_127 : i32
    %add3A_129 = arith.constant 128 : i32
    %add3A_130 = arith.addi %mul3A_128, %add3A_129 : i32
    %run_scoped3A_131 = arith.constant 1 : i32
    "tpu.region"() ({
      %run_scoped3A_147 = tpu.sem_alloc : memref<!tpu.dma_semaphore, #tpu.memory_space<semaphore_mem>>
      %dma_start3A_148 = arith.constant 0 : i32
      %dma_start3A_149 = tpu.memref_slice %arg7[%arg0, %run_scoped3A_131, %add3A_130, %dma_start3A_148] : memref<2x2x10240x72xf32, #tpu.memory_space<hbm>> -> memref<1x1x128x72xf32, #tpu.memory_space<hbm>>
      %dma_start3A_150 = tpu.memref_squeeze %dma_start3A_149 : memref<1x1x128x72xf32, #tpu.memory_space<hbm>> -> memref<128x72xf32, #tpu.memory_space<hbm>>
      %dma_start3A_151 = arith.constant 0 : i32
      %dma_start3A_152 = tpu.memref_slice %arg11[%add3A_130, %dma_start3A_151] : memref<10240x72xf32, #tpu.memory_space<vmem_shared>> -> memref<128x72xf32, #tpu.memory_space<vmem_shared>>
      tpu.enqueue_dma source(%dma_start3A_152 : memref<128x72xf32, #tpu.memory_space<vmem_shared>>) target(%dma_start3A_150 : memref<128x72xf32, #tpu.memory_space<hbm>>) target_semaphore(%run_scoped3A_147 : memref<!tpu.dma_semaphore, #tpu.memory_space<semaphore_mem>>)
      %dma_wait3A_153 = arith.constant 0 : i32
      %dma_wait3A_154 = tpu.memref_slice %arg7[%arg0, %run_scoped3A_131, %add3A_130, %dma_wait3A_153] : memref<2x2x10240x72xf32, #tpu.memory_space<hbm>> -> memref<1x1x128x72xf32, #tpu.memory_space<hbm>>
      %dma_wait3A_155 = tpu.memref_squeeze %dma_wait3A_154 : memref<1x1x128x72xf32, #tpu.memory_space<hbm>> -> memref<128x72xf32, #tpu.memory_space<hbm>>
      %dma_wait3A_156 = arith.constant 0 : i32
      %dma_wait3A_157 = tpu.memref_slice %arg11[%add3A_130, %dma_wait3A_156] : memref<10240x72xf32, #tpu.memory_space<vmem_shared>> -> memref<128x72xf32, #tpu.memory_space<vmem_shared>>
      tpu.wait_dma2 semaphore(%run_scoped3A_147 : memref<!tpu.dma_semaphore, #tpu.memory_space<semaphore_mem>>) src(%dma_wait3A_157 : memref<128x72xf32, #tpu.memory_space<vmem_shared>>) dst(%dma_wait3A_155 : memref<128x72xf32, #tpu.memory_space<hbm>>)
      tpu.yield
    }) : () -> ()
    %mul3A_132 = arith.constant 640 : i32
    %mul3A_133 = arith.muli %arg1, %mul3A_132 : i32
    %add3A_134 = arith.constant 256 : i32
    %add3A_135 = arith.addi %mul3A_133, %add3A_134 : i32
    %run_scoped3A_136 = arith.constant 1 : i32
    "tpu.region"() ({
      %run_scoped3A_147 = tpu.sem_alloc : memref<!tpu.dma_semaphore, #tpu.memory_space<semaphore_mem>>
      %dma_start3A_148 = arith.constant 0 : i32
      %dma_start3A_149 = tpu.memref_slice %arg7[%arg0, %run_scoped3A_136, %add3A_135, %dma_start3A_148] : memref<2x2x10240x72xf32, #tpu.memory_space<hbm>> -> memref<1x1x128x72xf32, #tpu.memory_space<hbm>>
      %dma_start3A_150 = tpu.memref_squeeze %dma_start3A_149 : memref<1x1x128x72xf32, #tpu.memory_space<hbm>> -> memref<128x72xf32, #tpu.memory_space<hbm>>
      %dma_start3A_151 = arith.constant 0 : i32
      %dma_start3A_152 = tpu.memref_slice %arg11[%add3A_135, %dma_start3A_151] : memref<10240x72xf32, #tpu.memory_space<vmem_shared>> -> memref<128x72xf32, #tpu.memory_space<vmem_shared>>
      tpu.enqueue_dma source(%dma_start3A_152 : memref<128x72xf32, #tpu.memory_space<vmem_shared>>) target(%dma_start3A_150 : memref<128x72xf32, #tpu.memory_space<hbm>>) target_semaphore(%run_scoped3A_147 : memref<!tpu.dma_semaphore, #tpu.memory_space<semaphore_mem>>)
      %dma_wait3A_153 = arith.constant 0 : i32
      %dma_wait3A_154 = tpu.memref_slice %arg7[%arg0, %run_scoped3A_136, %add3A_135, %dma_wait3A_153] : memref<2x2x10240x72xf32, #tpu.memory_space<hbm>> -> memref<1x1x128x72xf32, #tpu.memory_space<hbm>>
      %dma_wait3A_155 = tpu.memref_squeeze %dma_wait3A_154 : memref<1x1x128x72xf32, #tpu.memory_space<hbm>> -> memref<128x72xf32, #tpu.memory_space<hbm>>
      %dma_wait3A_156 = arith.constant 0 : i32
      %dma_wait3A_157 = tpu.memref_slice %arg11[%add3A_135, %dma_wait3A_156] : memref<10240x72xf32, #tpu.memory_space<vmem_shared>> -> memref<128x72xf32, #tpu.memory_space<vmem_shared>>
      tpu.wait_dma2 semaphore(%run_scoped3A_147 : memref<!tpu.dma_semaphore, #tpu.memory_space<semaphore_mem>>) src(%dma_wait3A_157 : memref<128x72xf32, #tpu.memory_space<vmem_shared>>) dst(%dma_wait3A_155 : memref<128x72xf32, #tpu.memory_space<hbm>>)
      tpu.yield
    }) : () -> ()
    %mul3A_137 = arith.constant 640 : i32
    %mul3A_138 = arith.muli %arg1, %mul3A_137 : i32
    %add3A_139 = arith.constant 384 : i32
    %add3A_140 = arith.addi %mul3A_138, %add3A_139 : i32
    %run_scoped3A_141 = arith.constant 1 : i32
    "tpu.region"() ({
      %run_scoped3A_147 = tpu.sem_alloc : memref<!tpu.dma_semaphore, #tpu.memory_space<semaphore_mem>>
      %dma_start3A_148 = arith.constant 0 : i32
      %dma_start3A_149 = tpu.memref_slice %arg7[%arg0, %run_scoped3A_141, %add3A_140, %dma_start3A_148] : memref<2x2x10240x72xf32, #tpu.memory_space<hbm>> -> memref<1x1x128x72xf32, #tpu.memory_space<hbm>>
      %dma_start3A_150 = tpu.memref_squeeze %dma_start3A_149 : memref<1x1x128x72xf32, #tpu.memory_space<hbm>> -> memref<128x72xf32, #tpu.memory_space<hbm>>
      %dma_start3A_151 = arith.constant 0 : i32
      %dma_start3A_152 = tpu.memref_slice %arg11[%add3A_140, %dma_start3A_151] : memref<10240x72xf32, #tpu.memory_space<vmem_shared>> -> memref<128x72xf32, #tpu.memory_space<vmem_shared>>
      tpu.enqueue_dma source(%dma_start3A_152 : memref<128x72xf32, #tpu.memory_space<vmem_shared>>) target(%dma_start3A_150 : memref<128x72xf32, #tpu.memory_space<hbm>>) target_semaphore(%run_scoped3A_147 : memref<!tpu.dma_semaphore, #tpu.memory_space<semaphore_mem>>)
      %dma_wait3A_153 = arith.constant 0 : i32
      %dma_wait3A_154 = tpu.memref_slice %arg7[%arg0, %run_scoped3A_141, %add3A_140, %dma_wait3A_153] : memref<2x2x10240x72xf32, #tpu.memory_space<hbm>> -> memref<1x1x128x72xf32, #tpu.memory_space<hbm>>
      %dma_wait3A_155 = tpu.memref_squeeze %dma_wait3A_154 : memref<1x1x128x72xf32, #tpu.memory_space<hbm>> -> memref<128x72xf32, #tpu.memory_space<hbm>>
      %dma_wait3A_156 = arith.constant 0 : i32
      %dma_wait3A_157 = tpu.memref_slice %arg11[%add3A_140, %dma_wait3A_156] : memref<10240x72xf32, #tpu.memory_space<vmem_shared>> -> memref<128x72xf32, #tpu.memory_space<vmem_shared>>
      tpu.wait_dma2 semaphore(%run_scoped3A_147 : memref<!tpu.dma_semaphore, #tpu.memory_space<semaphore_mem>>) src(%dma_wait3A_157 : memref<128x72xf32, #tpu.memory_space<vmem_shared>>) dst(%dma_wait3A_155 : memref<128x72xf32, #tpu.memory_space<hbm>>)
      tpu.yield
    }) : () -> ()
    %mul3A_142 = arith.constant 640 : i32
    %mul3A_143 = arith.muli %arg1, %mul3A_142 : i32
    %add3A_144 = arith.constant 512 : i32
    %add3A_145 = arith.addi %mul3A_143, %add3A_144 : i32
    %run_scoped3A_146 = arith.constant 1 : i32
    "tpu.region"() ({
      %run_scoped3A_147 = tpu.sem_alloc : memref<!tpu.dma_semaphore, #tpu.memory_space<semaphore_mem>>
      %dma_start3A_148 = arith.constant 0 : i32
      %dma_start3A_149 = tpu.memref_slice %arg7[%arg0, %run_scoped3A_146, %add3A_145, %dma_start3A_148] : memref<2x2x10240x72xf32, #tpu.memory_space<hbm>> -> memref<1x1x128x72xf32, #tpu.memory_space<hbm>>
      %dma_start3A_150 = tpu.memref_squeeze %dma_start3A_149 : memref<1x1x128x72xf32, #tpu.memory_space<hbm>> -> memref<128x72xf32, #tpu.memory_space<hbm>>
      %dma_start3A_151 = arith.constant 0 : i32
      %dma_start3A_152 = tpu.memref_slice %arg11[%add3A_145, %dma_start3A_151] : memref<10240x72xf32, #tpu.memory_space<vmem_shared>> -> memref<128x72xf32, #tpu.memory_space<vmem_shared>>
      tpu.enqueue_dma source(%dma_start3A_152 : memref<128x72xf32, #tpu.memory_space<vmem_shared>>) target(%dma_start3A_150 : memref<128x72xf32, #tpu.memory_space<hbm>>) target_semaphore(%run_scoped3A_147 : memref<!tpu.dma_semaphore, #tpu.memory_space<semaphore_mem>>)
      %dma_wait3A_153 = arith.constant 0 : i32
      %dma_wait3A_154 = tpu.memref_slice %arg7[%arg0, %run_scoped3A_146, %add3A_145, %dma_wait3A_153] : memref<2x2x10240x72xf32, #tpu.memory_space<hbm>> -> memref<1x1x128x72xf32, #tpu.memory_space<hbm>>
      %dma_wait3A_155 = tpu.memref_squeeze %dma_wait3A_154 : memref<1x1x128x72xf32, #tpu.memory_space<hbm>> -> memref<128x72xf32, #tpu.memory_space<hbm>>
      %dma_wait3A_156 = arith.constant 0 : i32
      %dma_wait3A_157 = tpu.memref_slice %arg11[%add3A_145, %dma_wait3A_156] : memref<10240x72xf32, #tpu.memory_space<vmem_shared>> -> memref<128x72xf32, #tpu.memory_space<vmem_shared>>
      tpu.wait_dma2 semaphore(%run_scoped3A_147 : memref<!tpu.dma_semaphore, #tpu.memory_space<semaphore_mem>>) src(%dma_wait3A_157 : memref<128x72xf32, #tpu.memory_space<vmem_shared>>) dst(%dma_wait3A_155 : memref<128x72xf32, #tpu.memory_space<hbm>>)
      tpu.yield
    }) : () -> ()
    return
  }
}

module attributes {stable_mosaic.version = 14 : i64} {
  func.func @_tc_body(%arg0: i32, %arg1: memref<1x2xf32, #tpu.memory_space<vmem>>, %arg2: memref<1x1x1000x72xf32, #tpu.memory_space<vmem>>, %arg3: memref<1x1x1000x72xf32, #tpu.memory_space<vmem>>, %arg4: memref<1x1x1000x72xf32, #tpu.memory_space<vmem>>, %arg5: memref<1x1x1000x72xf32, #tpu.memory_space<vmem>>, %arg6: memref<1000x128xf32, #tpu.memory_space<vmem>>, %arg7: memref<128x128xf32, #tpu.memory_space<vmem>>, %arg8: memref<128x128xf32, #tpu.memory_space<vmem>>, %arg9: memref<128x128xf32, #tpu.memory_space<vmem>>, %arg10: memref<128x128xf32, #tpu.memory_space<vmem>>, %arg11: memref<2x128xf32, #tpu.memory_space<vmem>>, %arg12: memref<1000x128xf32, #tpu.memory_space<vmem>>, %arg13: memref<1x2xf32, #tpu.memory_space<vmem>>) attributes {dimension_semantics = [#tpu.dimension_semantics<arbitrary>], iteration_bounds = array<i64: 10>, scalar_prefetch = 0 : i64, scratch_operands = 0 : i64, tpu.core_type = #tpu.core_type<tc>, window_params = [{pipeline_mode = #tpu.pipeline_mode<synchronous>, transform_indices = @transform_0, window_bounds = array<i64: 1, 2>}, {transform_indices = @transform_1, window_bounds = array<i64: 1, 1, 1000, 72>}, {transform_indices = @transform_2, window_bounds = array<i64: 1, 1, 1000, 72>}, {transform_indices = @transform_3, window_bounds = array<i64: 1, 1, 1000, 72>}, {transform_indices = @transform_4, window_bounds = array<i64: 1, 1, 1000, 72>}, {transform_indices = @transform_5, window_bounds = array<i64: 1000, 128>}, {pipeline_mode = #tpu.pipeline_mode<synchronous>, transform_indices = @transform_6, window_bounds = array<i64: 128, 128>}, {pipeline_mode = #tpu.pipeline_mode<synchronous>, transform_indices = @transform_7, window_bounds = array<i64: 128, 128>}, {pipeline_mode = #tpu.pipeline_mode<synchronous>, transform_indices = @transform_8, window_bounds = array<i64: 128, 128>}, {pipeline_mode = #tpu.pipeline_mode<synchronous>, transform_indices = @transform_9, window_bounds = array<i64: 128, 128>}, {pipeline_mode = #tpu.pipeline_mode<synchronous>, transform_indices = @transform_10, window_bounds = array<i64: 2, 128>}, {transform_indices = @transform_11, window_bounds = array<i64: 1000, 128>}, {pipeline_mode = #tpu.pipeline_mode<synchronous>, transform_indices = @transform_12, window_bounds = array<i64: 1, 2>}]} {
    %get3A = arith.constant 0 : index
    %get3A_0 = arith.constant 0 : index
    %get3A_1 = vector.load %arg1[%get3A, %get3A_0] : memref<1x2xf32, #tpu.memory_space<vmem>>, vector<1x2xf32>
    %get3A_2 = vector.shape_cast %get3A_1 : vector<1x2xf32> to vector<2xf32>
    %reduce_max3A = vector.shape_cast %get3A_2 : vector<2xf32> to vector<1x2xf32>
    %reduce_max3A_3 = arith.constant dense<0xFF800000> : vector<1xf32>
    %reduce_max3A_4 = vector.multi_reduction <maximumf>, %reduce_max3A, %reduce_max3A_3 [1] : vector<1x2xf32> to vector<1xf32>
    %reduce_max3A_5 = vector.shape_cast %reduce_max3A_4 : vector<1xf32> to vector<1x1xf32>
    %reduce_max3A_6 = vector.extract %reduce_max3A_5[0, 0] : f32 from vector<1x1xf32>
    %sub3A = vector.broadcast %reduce_max3A_6 : f32 to vector<2xf32>
    %sub3A_7 = arith.subf %get3A_2, %sub3A : vector<2xf32>
    %exp3A = math.exp %sub3A_7 : vector<2xf32>
    %reduce_sum3A = vector.shape_cast %exp3A : vector<2xf32> to vector<1x2xf32>
    %reduce_sum3A_8 = arith.constant dense<0.000000e+00> : vector<1xf32>
    %reduce_sum3A_9 = vector.multi_reduction <add>, %reduce_sum3A, %reduce_sum3A_8 [1] : vector<1x2xf32> to vector<1xf32>
    %reduce_sum3A_10 = vector.shape_cast %reduce_sum3A_9 : vector<1xf32> to vector<1x1xf32>
    %reduce_sum3A_11 = vector.extract %reduce_sum3A_10[0, 0] : f32 from vector<1x1xf32>
    %div3A = vector.broadcast %reduce_sum3A_11 : f32 to vector<2xf32>
    %div3A_12 = arith.divf %exp3A, %div3A : vector<2xf32>
    %swap3A = arith.constant 0 : index
    %swap3A_13 = arith.constant 0 : index
    %swap3A_14 = vector.load %arg13[%swap3A, %swap3A_13] : memref<1x2xf32, #tpu.memory_space<vmem>>, vector<1x2xf32>
    %swap3A_15 = vector.shape_cast %swap3A_14 : vector<1x2xf32> to vector<2xf32>
    %swap3A_16 = vector.shape_cast %div3A_12 : vector<2xf32> to vector<1x2xf32>
    tpu.vector_store %arg13[%swap3A, %swap3A_13], %swap3A_16 {strides = array<i32>} : memref<1x2xf32, #tpu.memory_space<vmem>>, vector<1x2xf32>,
    %get3A_17 = arith.constant 0 : index
    %get3A_18 = arith.constant 0 : index
    %get3A_19 = arith.constant 0 : index
    %get3A_20 = arith.constant 0 : index
    %get3A_21 = vector.load %arg2[%get3A_17, %get3A_18, %get3A_19, %get3A_20] : memref<1x1x1000x72xf32, #tpu.memory_space<vmem>>, vector<1x1x1000x72xf32>
    %get3A_22 = vector.shape_cast %get3A_21 : vector<1x1x1000x72xf32> to vector<1000x72xf32>
    %get3A_23 = arith.constant 0 : index
    %get3A_24 = arith.constant 0 : index
    %get3A_25 = arith.constant 0 : index
    %get3A_26 = arith.constant 0 : index
    %get3A_27 = vector.load %arg3[%get3A_23, %get3A_24, %get3A_25, %get3A_26] : memref<1x1x1000x72xf32, #tpu.memory_space<vmem>>, vector<1x1x1000x72xf32>
    %get3A_28 = vector.shape_cast %get3A_27 : vector<1x1x1000x72xf32> to vector<1000x72xf32>
    %get3A_29 = arith.constant 0 : index
    %get3A_30 = arith.constant 0 : index
    %get3A_31 = arith.constant 0 : index
    %get3A_32 = arith.constant 0 : index
    %get3A_33 = vector.load %arg4[%get3A_29, %get3A_30, %get3A_31, %get3A_32] : memref<1x1x1000x72xf32, #tpu.memory_space<vmem>>, vector<1x1x1000x72xf32>
    %get3A_34 = vector.shape_cast %get3A_33 : vector<1x1x1000x72xf32> to vector<1000x72xf32>
    %get3A_35 = arith.constant 0 : index
    %get3A_36 = arith.constant 0 : index
    %get3A_37 = arith.constant 0 : index
    %get3A_38 = arith.constant 0 : index
    %get3A_39 = vector.load %arg5[%get3A_35, %get3A_36, %get3A_37, %get3A_38] : memref<1x1x1000x72xf32, #tpu.memory_space<vmem>>, vector<1x1x1000x72xf32>
    %get3A_40 = vector.shape_cast %get3A_39 : vector<1x1x1000x72xf32> to vector<1000x72xf32>
    %slice3A = vector.extract_strided_slice %get3A_22 {offsets = [0, 64], sizes = [1000, 1], strides = [1, 1]} : vector<1000x72xf32> to vector<1000x1xf32>
    %max3A = arith.constant 1.000000e+00 : f32
    %max3A_41 = vector.broadcast %max3A : f32 to vector<1000x1xf32>
    %max3A_42 = arith.maximumf %slice3A, %max3A_41 : vector<1000x1xf32>
    %slice3A_43 = vector.extract_strided_slice %get3A_34 {offsets = [0, 64], sizes = [1000, 1], strides = [1, 1]} : vector<1000x72xf32> to vector<1000x1xf32>
    %max3A_44 = arith.constant 1.000000e+00 : f32
    %max3A_45 = vector.broadcast %max3A_44 : f32 to vector<1000x1xf32>
    %max3A_46 = arith.maximumf %slice3A_43, %max3A_45 : vector<1000x1xf32>
    %get3A_47 = arith.constant 0 : index
    %get3A_48 = arith.constant 0 : index
    %get3A_49 = vector.load %arg7[%get3A_47, %get3A_48] : memref<128x128xf32, #tpu.memory_space<vmem>>, vector<128x128xf32>
    %get3A_50 = arith.constant 0 : index
    %get3A_51 = arith.constant 0 : index
    %get3A_52 = vector.load %arg8[%get3A_50, %get3A_51] : memref<128x128xf32, #tpu.memory_space<vmem>>, vector<128x128xf32>
    %slice3A_53 = vector.extract_strided_slice %get3A_22 {offsets = [0, 0], sizes = [1000, 64], strides = [1, 1]} : vector<1000x72xf32> to vector<1000x64xf32>
    %div3A_54 = vector.broadcast %max3A_42 : vector<1000x1xf32> to vector<1000x64xf32>
    %div3A_55 = arith.divf %slice3A_53, %div3A_54 : vector<1000x64xf32>
    %slice3A_56 = vector.extract_strided_slice %get3A_49 {offsets = [0, 0], sizes = [64, 128], strides = [1, 1]} : vector<128x128xf32> to vector<64x128xf32>
    %dot_general3A = arith.constant dense<0.000000e+00> : vector<1000x128xf32>
    %dot_general3A_57 = tpu.matmul %div3A_55, %slice3A_56, %dot_general3A {dimension_numbers = #tpu.dot_dimension_numbers<[1], [0], [0], [1], [0, 0, 1, 1], [], []>, transpose_lhs_hint = false} : vector<1000x64xf32>, vector<64x128xf32>, vector<1000x128xf32> -> vector<1000x128xf32>
    %slice3A_58 = vector.extract_strided_slice %get3A_28 {offsets = [0, 0], sizes = [1000, 64], strides = [1, 1]} : vector<1000x72xf32> to vector<1000x64xf32>
    %div3A_59 = vector.broadcast %max3A_42 : vector<1000x1xf32> to vector<1000x64xf32>
    %div3A_60 = arith.divf %slice3A_58, %div3A_59 : vector<1000x64xf32>
    %slice3A_61 = vector.extract_strided_slice %get3A_49 {offsets = [64, 0], sizes = [64, 128], strides = [1, 1]} : vector<128x128xf32> to vector<64x128xf32>
    %dot_general3A_62 = arith.constant dense<0.000000e+00> : vector<1000x128xf32>
    %dot_general3A_63 = tpu.matmul %div3A_60, %slice3A_61, %dot_general3A_62 {dimension_numbers = #tpu.dot_dimension_numbers<[1], [0], [0], [1], [0, 0, 1, 1], [], []>, transpose_lhs_hint = false} : vector<1000x64xf32>, vector<64x128xf32>, vector<1000x128xf32> -> vector<1000x128xf32>
    %add3A = arith.addf %dot_general3A_57, %dot_general3A_63 : vector<1000x128xf32>
    %slice3A_64 = vector.extract_strided_slice %get3A_34 {offsets = [0, 0], sizes = [1000, 64], strides = [1, 1]} : vector<1000x72xf32> to vector<1000x64xf32>
    %div3A_65 = vector.broadcast %max3A_46 : vector<1000x1xf32> to vector<1000x64xf32>
    %div3A_66 = arith.divf %slice3A_64, %div3A_65 : vector<1000x64xf32>
    %slice3A_67 = vector.extract_strided_slice %get3A_52 {offsets = [0, 0], sizes = [64, 128], strides = [1, 1]} : vector<128x128xf32> to vector<64x128xf32>
    %dot_general3A_68 = arith.constant dense<0.000000e+00> : vector<1000x128xf32>
    %dot_general3A_69 = tpu.matmul %div3A_66, %slice3A_67, %dot_general3A_68 {dimension_numbers = #tpu.dot_dimension_numbers<[1], [0], [0], [1], [0, 0, 1, 1], [], []>, transpose_lhs_hint = false} : vector<1000x64xf32>, vector<64x128xf32>, vector<1000x128xf32> -> vector<1000x128xf32>
    %slice3A_70 = vector.extract_strided_slice %get3A_40 {offsets = [0, 0], sizes = [1000, 64], strides = [1, 1]} : vector<1000x72xf32> to vector<1000x64xf32>
    %div3A_71 = vector.broadcast %max3A_46 : vector<1000x1xf32> to vector<1000x64xf32>
    %div3A_72 = arith.divf %slice3A_70, %div3A_71 : vector<1000x64xf32>
    %slice3A_73 = vector.extract_strided_slice %get3A_52 {offsets = [64, 0], sizes = [64, 128], strides = [1, 1]} : vector<128x128xf32> to vector<64x128xf32>
    %dot_general3A_74 = arith.constant dense<0.000000e+00> : vector<1000x128xf32>
    %dot_general3A_75 = tpu.matmul %div3A_72, %slice3A_73, %dot_general3A_74 {dimension_numbers = #tpu.dot_dimension_numbers<[1], [0], [0], [1], [0, 0, 1, 1], [], []>, transpose_lhs_hint = false} : vector<1000x64xf32>, vector<64x128xf32>, vector<1000x128xf32> -> vector<1000x128xf32>
    %add3A_76 = arith.addf %dot_general3A_69, %dot_general3A_75 : vector<1000x128xf32>
    %get3A_77 = arith.constant 0 : index
    %get3A_78 = arith.constant 0 : index
    %get3A_79 = vector.load %arg9[%get3A_77, %get3A_78] : memref<128x128xf32, #tpu.memory_space<vmem>>, vector<128x128xf32>
    %slice3A_80 = vector.extract_strided_slice %div3A_12 {offsets = [0], sizes = [1], strides = [1]} : vector<2xf32> to vector<1xf32>
    %broadcast_in_dim3A = vector.shape_cast %slice3A_80 : vector<1xf32> to vector<1x1xf32>
    %mul3A = vector.broadcast %broadcast_in_dim3A : vector<1x1xf32> to vector<128x128xf32>
    %mul3A_81 = arith.mulf %get3A_79, %mul3A : vector<128x128xf32>
    %get3A_82 = arith.constant 0 : index
    %get3A_83 = arith.constant 0 : index
    %get3A_84 = vector.load %arg10[%get3A_82, %get3A_83] : memref<128x128xf32, #tpu.memory_space<vmem>>, vector<128x128xf32>
    %slice3A_85 = vector.extract_strided_slice %div3A_12 {offsets = [1], sizes = [1], strides = [1]} : vector<2xf32> to vector<1xf32>
    %broadcast_in_dim3A_86 = vector.shape_cast %slice3A_85 : vector<1xf32> to vector<1x1xf32>
    %mul3A_87 = vector.broadcast %broadcast_in_dim3A_86 : vector<1x1xf32> to vector<128x128xf32>
    %mul3A_88 = arith.mulf %get3A_84, %mul3A_87 : vector<128x128xf32>
    %add3A_89 = arith.addf %mul3A_81, %mul3A_88 : vector<128x128xf32>
    %get3A_90 = arith.constant 0 : index
    %get3A_91 = arith.constant 0 : index
    %get3A_92 = vector.load %arg6[%get3A_90, %get3A_91] : memref<1000x128xf32, #tpu.memory_space<vmem>>, vector<1000x128xf32>
    %dot_general3A_93 = arith.constant dense<0.000000e+00> : vector<1000x128xf32>
    %dot_general3A_94 = tpu.matmul %get3A_92, %add3A_89, %dot_general3A_93 {dimension_numbers = #tpu.dot_dimension_numbers<[1], [0], [0], [1], [0, 0, 1, 1], [], []>, transpose_lhs_hint = false} : vector<1000x128xf32>, vector<128x128xf32>, vector<1000x128xf32> -> vector<1000x128xf32>
    %get3A_95 = arith.constant 0 : index
    %get3A_96 = arith.constant 0 : index
    %get3A_97 = vector.load %arg11[%get3A_95, %get3A_96] : memref<2x128xf32, #tpu.memory_space<vmem>>, vector<1x128xf32>
    %slice3A_98 = vector.extract_strided_slice %div3A_12 {offsets = [0], sizes = [1], strides = [1]} : vector<2xf32> to vector<1xf32>
    %broadcast_in_dim3A_99 = vector.shape_cast %slice3A_98 : vector<1xf32> to vector<1x1xf32>
    %mul3A_100 = vector.broadcast %broadcast_in_dim3A_99 : vector<1x1xf32> to vector<1x128xf32>
    %mul3A_101 = arith.mulf %get3A_97, %mul3A_100 : vector<1x128xf32>
    %get3A_102 = arith.constant 1 : index
    %get3A_103 = arith.constant 0 : index
    %get3A_104 = vector.load %arg11[%get3A_102, %get3A_103] : memref<2x128xf32, #tpu.memory_space<vmem>>, vector<1x128xf32>
    %slice3A_105 = vector.extract_strided_slice %div3A_12 {offsets = [1], sizes = [1], strides = [1]} : vector<2xf32> to vector<1xf32>
    %broadcast_in_dim3A_106 = vector.shape_cast %slice3A_105 : vector<1xf32> to vector<1x1xf32>
    %mul3A_107 = vector.broadcast %broadcast_in_dim3A_106 : vector<1x1xf32> to vector<1x128xf32>
    %mul3A_108 = arith.mulf %get3A_104, %mul3A_107 : vector<1x128xf32>
    %add3A_109 = arith.addf %mul3A_101, %mul3A_108 : vector<1x128xf32>
    %slice3A_110 = vector.extract_strided_slice %div3A_12 {offsets = [0], sizes = [1], strides = [1]} : vector<2xf32> to vector<1xf32>
    %broadcast_in_dim3A_111 = vector.shape_cast %slice3A_110 : vector<1xf32> to vector<1x1xf32>
    %mul3A_112 = vector.broadcast %broadcast_in_dim3A_111 : vector<1x1xf32> to vector<1000x128xf32>
    %mul3A_113 = arith.mulf %add3A, %mul3A_112 : vector<1000x128xf32>
    %slice3A_114 = vector.extract_strided_slice %div3A_12 {offsets = [1], sizes = [1], strides = [1]} : vector<2xf32> to vector<1xf32>
    %broadcast_in_dim3A_115 = vector.shape_cast %slice3A_114 : vector<1xf32> to vector<1x1xf32>
    %mul3A_116 = vector.broadcast %broadcast_in_dim3A_115 : vector<1x1xf32> to vector<1000x128xf32>
    %mul3A_117 = arith.mulf %add3A_76, %mul3A_116 : vector<1000x128xf32>
    %add3A_118 = arith.addf %mul3A_113, %mul3A_117 : vector<1000x128xf32>
    %add3A_119 = arith.addf %add3A_118, %dot_general3A_94 : vector<1000x128xf32>
    %add3A_120 = vector.broadcast %add3A_109 : vector<1x128xf32> to vector<1000x128xf32>
    %add3A_121 = arith.addf %add3A_119, %add3A_120 : vector<1000x128xf32>
    %swap3A_122 = arith.constant 0 : index
    %swap3A_123 = arith.constant 0 : index
    %swap3A_124 = vector.load %arg12[%swap3A_122, %swap3A_123] : memref<1000x128xf32, #tpu.memory_space<vmem>>, vector<1000x128xf32>
    tpu.vector_store %arg12[%swap3A_122, %swap3A_123], %add3A_121 {strides = array<i32>} : memref<1000x128xf32, #tpu.memory_space<vmem>>, vector<1000x128xf32>,
    return
  }
  func.func @transform_0(%arg0: i32) -> (i32, i32) {
    %c0_i32 = arith.constant 0 : i32
    %c0_i32_0 = arith.constant 0 : i32
    %c0_i32_1 = arith.constant 0 : i32
    return %c0_i32, %c0_i32_0 : i32, i32
  }
  func.func @transform_1(%arg0: i32) -> (i32, i32, i32, i32) {
    %c0_i32 = arith.constant 0 : i32
    %c0_i32_0 = arith.constant 0 : i32
    %c0_i32_1 = arith.constant 0 : i32
    %c0_i32_2 = arith.constant 0 : i32
    return %c0_i32, %c0_i32_0, %arg0, %c0_i32_1 : i32, i32, i32, i32
  }
  func.func @transform_2(%arg0: i32) -> (i32, i32, i32, i32) {
    %c0_i32 = arith.constant 0 : i32
    %c1_i32 = arith.constant 1 : i32
    %c0_i32_0 = arith.constant 0 : i32
    %c0_i32_1 = arith.constant 0 : i32
    return %c0_i32, %c1_i32, %arg0, %c0_i32_0 : i32, i32, i32, i32
  }
  func.func @transform_3(%arg0: i32) -> (i32, i32, i32, i32) {
    %c1_i32 = arith.constant 1 : i32
    %c0_i32 = arith.constant 0 : i32
    %c0_i32_0 = arith.constant 0 : i32
    %c0_i32_1 = arith.constant 0 : i32
    return %c1_i32, %c0_i32, %arg0, %c0_i32_0 : i32, i32, i32, i32
  }
  func.func @transform_4(%arg0: i32) -> (i32, i32, i32, i32) {
    %c1_i32 = arith.constant 1 : i32
    %c1_i32_0 = arith.constant 1 : i32
    %c0_i32 = arith.constant 0 : i32
    %c0_i32_1 = arith.constant 0 : i32
    return %c1_i32, %c1_i32_0, %arg0, %c0_i32 : i32, i32, i32, i32
  }
  func.func @transform_5(%arg0: i32) -> (i32, i32) {
    %c0_i32 = arith.constant 0 : i32
    %c0_i32_0 = arith.constant 0 : i32
    return %arg0, %c0_i32 : i32, i32
  }
  func.func @transform_6(%arg0: i32) -> (i32, i32) {
    %c0_i32 = arith.constant 0 : i32
    %c0_i32_0 = arith.constant 0 : i32
    %c0_i32_1 = arith.constant 0 : i32
    return %c0_i32, %c0_i32_0 : i32, i32
  }
  func.func @transform_7(%arg0: i32) -> (i32, i32) {
    %c0_i32 = arith.constant 0 : i32
    %c0_i32_0 = arith.constant 0 : i32
    %c0_i32_1 = arith.constant 0 : i32
    return %c0_i32, %c0_i32_0 : i32, i32
  }
  func.func @transform_8(%arg0: i32) -> (i32, i32) {
    %c0_i32 = arith.constant 0 : i32
    %c0_i32_0 = arith.constant 0 : i32
    %c0_i32_1 = arith.constant 0 : i32
    return %c0_i32, %c0_i32_0 : i32, i32
  }
  func.func @transform_9(%arg0: i32) -> (i32, i32) {
    %c0_i32 = arith.constant 0 : i32
    %c0_i32_0 = arith.constant 0 : i32
    %c0_i32_1 = arith.constant 0 : i32
    return %c0_i32, %c0_i32_0 : i32, i32
  }
  func.func @transform_10(%arg0: i32) -> (i32, i32) {
    %c0_i32 = arith.constant 0 : i32
    %c0_i32_0 = arith.constant 0 : i32
    %c0_i32_1 = arith.constant 0 : i32
    return %c0_i32, %c0_i32_0 : i32, i32
  }
  func.func @transform_11(%arg0: i32) -> (i32, i32) {
    %c0_i32 = arith.constant 0 : i32
    %c0_i32_0 = arith.constant 0 : i32
    return %arg0, %c0_i32 : i32, i32
  }
  func.func @transform_12(%arg0: i32) -> (i32, i32) {
    %c0_i32 = arith.constant 0 : i32
    %c0_i32_0 = arith.constant 0 : i32
    %c0_i32_1 = arith.constant 0 : i32
    return %c0_i32, %c0_i32_0 : i32, i32
  }
}

</mosaic_0001>

<sc_bundles>
// kernel: kernel.4.cloned.1.call-start
scs
__scs_entry_jumppad:
0x0: {  	(pc) =	sbr.rel $0x88, $3  }
0x1: {  	(tag) =	ssettag $0x0;
	lr =	simm.s32 $0x1  }
0x2: {  	[smem:$0x3F97] =	sst lr;
	_ =	strace $0xD0000000  }
0x3: {  	_ = 	snop  }
0x4: {  	_ = 	snop  }
0x5: {  	_ = 	snop  }
0x6: {  	_ = 	snop  }
0x7: {  	_ = 	snop  }
__scs_overlays_trampoline_lowered:
0x8: {  	[smem:$0x3FA6] =	sst s0  }
0x9: {  	[smem:$0x3FA7] =	sst s1  }
0xa: {  	[smem:$0x3FA8] =	sst s2  }
0xb: {  	[smem:$0x3FA9] =	sst s3  }
0xc: {  	[smem:$0x3FAA] =	sst s4  }
0xd: {  	[smem:$0x3FAB] =	sst s5  }
0xe: {  	[smem:$0x3FAC] =	sst s6  }
0xf: {  	[smem:$0x3FAD] =	sst s7  }
0x10: {  	[smem:$0x3FAE] =	sst s8  }
0x11: {  	[smem:$0x3FAF] =	sst s9;
	s0 =	simm.s32 @!p0 $0x0  }
0x12: {  	s1 =	sld [smem:$0x3F95];
	s0 =	simm.s32 @p0 $0x1  }
0x13: {  	[smem:$0x3FB0] =	sst s0;
	s0 =	simm.s32 @!p1 $0x0  }
0x14: {  	s2 =	sld [smem:$0x3F94];
	s0 =	simm.s32 @p1 $0x1  }
0x15: {  	[smem:$0x3FB1] =	sst s0;
	s0 =	simm.s32 @!p2 $0x0  }
0x16: {  	s3 =	sld [smem:$0x3FDB];
	s0 =	simm.s32 @p2 $0x1  }
0x17: {  	s4 =	simm.s32 $0x1BF5;
	[smem:$0x3FB3] =	sst s0  }
0x18: {  	s0 =	sld [smem:$0x3F96];
	_ =	swait.ge [sflag:s4], $0x0  }
0x19: {  	s7 =	sld [smem:$0x3F97]  }
0x1a: {  	s8 =	sadd.s32 $0xFFFFE003, lr  }
0x1b: {  	s9 =	sadd.s32 $0xFFFFFEF7, lr;
	s5 =	simm.s32 $0xFFFFFFFF;
	p2 =	slt.u32 s8, $0xFFFFF086  }
0x1c: {  	p1 =	slt.u32 s9, $0xF7A;
	s5 =	simm.s32 @!p2 $0x0  }
0x1d: {  	s5 =	simm.s32 @p1 $0x1;
	p0 =	seq.s32 s7, s2  }
0x1e: {  	s7 =	smul.u32 @!p0 $0xF7A, s2;
	p2 =	seq.s32 @!p0 s5, $0x0  }
0x1f: {  	s9 =	smul.u32 $0xF7A, s1;
	s8 =	simm.s32 @!p0 $0x1BF5;
	p2 =	por !p2, p0  }
0x20: {  	[sflag:s8] =	ssyncset.s32 @!p0 $0xFFFFF086;
	s6 =	sadd.s32 @!p0 s3, s7;
	s7 =	simm.s32 @!p0 $0x108  }
0x21: {  	s3 =	sadd.s32 s3, s9;
	s6 =	sadd.s32 @!p0 $0x88, s6;
	s7 =	simm.s32 @p2 $0x1082  }
0x22: {  	[simem:s7], [sflag:s8] =	dma.local @!p0 [hbm:s6], $0xF7A  }
0x23: {  	s9 =	sor.u32 $0xD0000000, s2;
	s6 =	simm.s32 $0x108;
	_ =	swait.ge @!p0 [sflag:s8], $0x0  }
0x24: {  	s3 =	sadd.s32 $0x88, s3;
	s6 =	simm.s32 @!p1 $0x1082;
	[sflag:s4] =	ssyncset.s32 $0xFFFFF086  }
0x25: {  	[simem:s6], [sflag:s4] =	dma.local [hbm:s3], $0xF7A  }
0x26: {  	[smem:$0x3F97] =	sst s1;
	(tag) =	ssettag s2;
	_ =	strace s9  }
0x27: {  	s1 =	sld [smem:$0x3FA7]  }
0x28: {  	s2 =	sld [smem:$0x3FA8]  }
0x29: {  	s4 =	sld [smem:$0x3FAA]  }
0x2a: {  	p0 =	seq.s32 s5, $0x0;
	s5 =	sld [smem:$0x3FAB]  }
0x2b: {  	s6 =	sld [smem:$0x3FAC]  }
0x2c: {  	s7 =	sld [smem:$0x3FAD]  }
0x2d: {  	s3 =	simm.s32 $0x108;
	s8 =	sld [smem:$0x3FAE]  }
0x2e: {  	s3 =	simm.s32 @!p0 $0x1082;
	s9 =	sld [smem:$0x3FAF]  }
0x2f: {  	lr =	sadd.s32 s0, s3;
	s0 =	sld [smem:$0x3FA6]  }
0x30: {  	s3 =	sld [smem:$0x3FA9]  }
0x31: {  	[smem:$0x3FB2] =	sst s10  }
0x32: {  	s10 =	sld [smem:$0x3FB0];
	_ =	sdelay $0x3  }
0x33: {  	p0 =	seq.s32 s10, $0x1;
	s10 =	sld [smem:$0x3FB2];
	_ =	sdelay $0x3  }
0x34: {  	[smem:$0x3FB2] =	sst s10  }
0x35: {  	s10 =	sld [smem:$0x3FB1];
	_ =	sdelay $0x3  }
0x36: {  	p1 =	seq.s32 s10, $0x1;
	s10 =	sld [smem:$0x3FB2];
	_ =	sdelay $0x3  }
0x37: {  	[smem:$0x3FB2] =	sst s10  }
0x38: {  	s10 =	sld [smem:$0x3FB3]  }
0x39: {  	_ = 	snop;
	(pc) =	sbr.ind lr, $3  }
0x3a: {  	_ = 	snop  }
0x3b: {  	_ = 	snop  }
0x3c: {  	p2 =	seq.s32 s10, $0x1;
	s10 =	sld [smem:$0x3FB2]  }
0x3d: {  	_ =	shalt  }
0x3e: {  	_ =	shalt  }
0x3f: {  	_ =	shalt  }
0x40: {  	_ =	shalt  }
0x41: {  	_ =	shalt  }
0x42: {  	_ =	shalt  }
0x43: {  	_ =	shalt  }
0x44: {  	_ =	shalt  }
0x45: {  	_ =	shalt  }
0x46: {  	_ =	shalt  }
0x47: {  	_ =	shalt  }
0x48: {  	_ =	shalt  }
0x49: {  	_ =	shalt  }
0x4a: {  	_ =	shalt  }
0x4b: {  	_ =	shalt  }
0x4c: {  	_ =	shalt  }
0x4d: {  	_ =	shalt  }
0x4e: {  	_ =	shalt  }
0x4f: {  	_ =	shalt  }
0x50: {  	_ =	shalt  }
0x51: {  	_ =	shalt  }
0x52: {  	_ =	shalt  }
0x53: {  	_ =	shalt  }
0x54: {  	_ =	shalt  }
0x55: {  	_ =	shalt  }
0x56: {  	_ =	shalt  }
0x57: {  	_ =	shalt  }
0x58: {  	_ =	shalt  }
0x59: {  	_ =	shalt  }
0x5a: {  	_ =	shalt  }
0x5b: {  	_ =	shalt  }
0x5c: {  	_ =	shalt  }
0x5d: {  	_ =	shalt  }
0x5e: {  	_ =	shalt  }
0x5f: {  	_ =	shalt  }
0x60: {  	_ =	shalt  }
0x61: {  	_ =	shalt  }
0x62: {  	_ =	shalt  }
0x63: {  	_ =	shalt  }
0x64: {  	_ =	shalt  }
0x65: {  	_ =	shalt  }
0x66: {  	_ =	shalt  }
0x67: {  	_ =	shalt  }
0x68: {  	_ =	shalt  }
0x69: {  	_ =	shalt  }
0x6a: {  	_ =	shalt  }
0x6b: {  	_ =	shalt  }
0x6c: {  	_ =	shalt  }
0x6d: {  	_ =	shalt  }
0x6e: {  	_ =	shalt  }
0x6f: {  	_ =	shalt  }
0x70: {  	_ =	shalt  }
0x71: {  	_ =	shalt  }
0x72: {  	_ =	shalt  }
0x73: {  	_ =	shalt  }
0x74: {  	_ =	shalt  }
0x75: {  	_ =	shalt  }
0x76: {  	_ =	shalt  }
0x77: {  	_ =	shalt  }
0x78: {  	_ =	shalt  }
0x79: {  	_ =	shalt  }
0x7a: {  	_ =	shalt  }
0x7b: {  	_ =	shalt  }
0x7c: {  	_ =	shalt  }
0x7d: {  	_ =	shalt  }
0x7e: {  	_ =	shalt  }
0x7f: {  	_ =	shalt  }
0x80: {  	_ =	shalt  }
0x81: {  	_ =	shalt  }
0x82: {  	_ =	shalt  }
0x83: {  	_ =	shalt  }
0x84: {  	_ =	shalt  }
0x85: {  	_ =	shalt  }
0x86: {  	_ =	shalt  }
0x87: {  	_ =	shalt  }
.Lfunc_end0:
.L_simem_size_0:
called_computation_lowered:
.L_overlay_start_0:
0x88: {  	s2 =	sld [smem:$0x3FD9]  }
0x89: {  	s3 =	sld [smem:$0x3FFE];
	_ =	sdelay $0x1  }
0x8a: {  	s1 =	srdreg.scid  }
0x8b: {  	s0 =	sand.u32 $0x1, s1  }
0x8c: {  	s14 =	sshll.u32 s0, $0xA;
	s2 =	sadd.s32 s3, s2  }
0x8d: {  	s2 =	sadd.s32 s2, s14  }
0x8e: {  	[smem:$0x3FBE] =	sst s2  }
0x8f: {  	_ = 	snop  }
0x90: {  	s2 =	sld [smem:$0x3FD0];
	_ =	sdelay $0x2  }
0x91: {  	s15 =	simm.s32 $0xA;
	s4 =	simm.s32 $0x10  }
0x92: {  	[smem:s4], [sflag:s15] =	dma.local [hbm:s2], $0x1  }
0x93: {  	_ =	swait.eq [sflag:s15], $0x1  }
0x94: {  	[sflag:s15] =	ssyncset.done $0x0  }
0x95: {  	[sflag:s15] =	ssyncadd.s32 $0xFFFFFFFF  }
0x96: {  	s16 =	sld [smem:$0x10];
	(tm) =	ssettm $0x1  }
0x97: {  	s17 =	sld [smem:$0x3FFB];
	_ =	sdelay $0x3  }
0x98: {  	_ =	strace s17  }
0x99: {  	s3 =	sld [smem:$0x3FFC];
	_ =	sdelay $0x3  }
0x9a: {  	_ =	strace s3  }
0x9b: {  	s3 =	sld [smem:$0x3FFD];
	_ =	sdelay $0x3  }
0x9c: {  	_ =	strace s3  }
0x9d: {  	_ =	strace $0x8FFFFFFF  }
0x9e: {  	s18 =	sld [smem:$0x3FDB];
	_ =	sdelay $0x1  }
0x9f: {  	s19 =	simm.s32 $_scs_section_size  }
0xa0: {  	s5 =	simm.s32 $_size__tile_overlayer_lowered;
	s6 =	simm.s32 $_tile_overlayer_lowered  }
0xa1: {  	s22 =	simm.s32 $0x1BFF;
	s21 =	sshll.u32 s6, $0x1;
	s3 =	sadd.s32 s19, s18  }
0xa2: {  	s7 =	simm.s32 $0x0;
	s20 =	sshll.u32 s5, $0x1;
	s5 =	sadd.s32 s21, s3  }
0xa3: {  	[timem:s7], [sflag:s22] =	dma.local [hbm:s5], s20  }
0xa4: {  	_ =	swait.ge [sflag:s22], s20  }
0xa5: {  	s4 =	ssub.s32 $0x0, s20;
	[sflag:s22] =	ssyncset.done $0x0  }
0xa6: {  	[sflag:s22] =	ssyncadd.s32 s4;
	_ =	sdelay $0x1  }
0xa7: {  	s23 =	simm.s32 $0x1B8B  }
0xa8: {  	_ =	swait.ge [sflag:s23], $0x1  }
0xa9: {  	[sflag:s23] =	ssyncset.done $0x0  }
0xaa: {  	s25 =	simm.s32 $0x1B8E;
	s24 =	sld [smem:$0x3FFE];
	[sflag:s23] =	ssyncadd.s32 $0xFFFFFFFF  }
0xab: {  	s26 =	simm.s32 $execute0_lowered;
	[smem:$0x3FD2] =	sst s25  }
0xac: {  	s5 =	sshll.u32 s26, $0x1;
	_ =	strace $0x80000046;
	[dreg:$0x1] =	wrdreg $0xFFFFFFFF  }
0xad: {  	s28 =	simm.s32 $_size_execute0_lowered;
	s3 =	sadd.s32 s3, s5;
	[dreg:$0x0] =	wrdreg $0x0  }
0xae: {  	s5 =	sshll.u32 s28, $0x1;
	[dreg:$0x2] =	wrdreg s3  }
0xaf: {  	[dreg:$0x3] =	wrdreg s5  }
0xb0: {  	[dreg:$0x4] =	wrdreg $0xC0  }
0xb1: {  	_ =	task [dreg:s7], $0x5FFFF  }
0xb2: {  	[dreg:$0x1] =	wrdreg $0xFFFFFFFF  }
0xb3: {  	[dreg:$0x0] =	wrdreg $0x60  }
0xb4: {  	[dreg:$0x2] =	wrdreg s16  }
0xb5: {  	[dreg:$0x3] =	wrdreg s24  }
0xb6: {  	[dreg:$0x4] =	wrdreg $0x97000  }
0xb7: {  	[dreg:$0x5] =	wrdreg $0x9  }
0xb8: {  	_ =	task.clear_ibuf [dreg:s7], $0x6FFFF;
	_ =	strace $0x90000046  }
0xb9: {  	s29 =	simm.s32 $0x9;
	_ =	strace $0x80000048  }
0xba: {  	_ =	swait.ge [sflag:s29], $0x1  }
0xbb: {  	[sflag:s29] =	ssyncadd.s32 $0xFFFFFFFF  }
0xbc: {  	_ =	strace $0x90000048  }
0xbd: {  	_ =	sfence  }
0xbe: {  	s30 =	sld [smem:$0x0];
	_ =	sdelay $0x2  }
0xbf: {  	s31 =	sshll.u32 s1, $0xD;
	s1 =	sshrl.u32 s1, $0x2  }
0xc0: {  	s3 =	sand.u32 $0x4000, s31;
	s1 =	sadd.s32 s1, s30  }
0xc1: {  	s0 =	sor.u32 s3, s0;
	s1 =	sshll.u32 s1, $0x11  }
0xc2: {  	s0 =	sor.u32 s1, s0  }
0xc3: {  	s0 =	sadd.s32 $0x8F2B, s0  }
0xc4: {  	[sflag:s0] =	ssyncadd.remote.s32 $0x1  }
0xc5: {  	_ =	sfence.sel $0xFFFF  }
0xc6: {  	[dreg:$0x0] =	wrdreg $0xFFFFFFFF;
	(pc) =	sbr.abs _section_cstart, $3  }
0xc7: {  	[dreg:$0x1] =	wrdreg $0xFFFFFFFF  }
0xc8: {  	_ =	task.clear_ibuf [dreg:s7], $0x2FFFF;
	_ =	strace $0x9FFFFFFF  }
0xc9: {  	(tm) =	ssettm $0x7FFFFFFF  }
tec
execute0_lowered:
.L_overlay_start_1:
0x0: {  	(tag) =	ssettag $0x1  }
0x1: {  	s0 =	rddreg [dreg:$0x0]  }
0x2: {  	s1 =	rddreg [dreg:$0x1];
	s2 =	srdreg.scid  }
0x3: {  	s3 =	rddreg [dreg:$0x2];
	s10 =	stileid.u32  }
0x4: {  	s4 =	simm.s32 $0x0;
	s28 =	simm.s32 $0x1;
	s29 =	simm.s32 $0x80  }
0x5: {  	s30 =	simm.s32 $0x2;
	s31 =	simm.s32 $0x0;
	s6 =	smul.u32 $0x2780, s10  }
0x6: {  	s2 =	sand.u32 $0x1, s2;
	[smem:$0x7FF] =	sst s4;
	s10 =	smul.u32 $0xB400, s10  }
0x7: {  	s5 =	smul.u32 $0x27800, s2;
	_ =	strace $0x80000047;
	s7 =	ssub.s32 $0x2, s2  }
0x8: {  	s2 =	smul.u32 $0x168000, s2;
	s9 =	sshrl.u32 s7, $0x1;
	s17 =	sadd.s32 s10, s3  }
0x9: {  	s18 =	sadd.s32 $0x2400, s10;
	s19 =	sadd.s32 $0x4800, s10;
	s21 =	sadd.s32 $0x6C00, s10  }
0xa: {  	s6 =	sadd.s32 s6, s5;
	s5 =	sadd.s32 $0x14A00, s1;
	s7 =	ssub.s32 s7, s9  }
0xb: {  	[dreg:$0x6] =	wrdreg s17;
	s11 =	sadd.s32 s18, s3;
	s20 =	sadd.s32 s19, s3  }
0xc: {  	s12 =	sadd.s32 s21, s3;
	s22 =	sadd.s32 s10, s2;
	[dreg:$0x7] =	wrdreg s11  }
0xd: {  	s10 =	sadd.s32 $0x9000, s10;
	s24 =	sadd.s32 s2, s19;
	[dreg:$0x8] =	wrdreg s20  }
0xe: {  	s25 =	sadd.s32 s2, s21;
	s6 =	sshrl.u32 s6, $0x3;
	[dreg:$0x9] =	wrdreg s12  }
0xf: {  	s12 =	sshrl.u32 s22, $0x3;
	s13 =	sadd.s32 s10, s3;
	s9 =	sshrl.u32 s25, $0x3  }
0x10: {  	s25 =	simm.s32 $0x3;
	s8 =	sadd.s32 s6, s1;
	s6 =	sadd.s32 $0x2AA00, s1  }
0x11: {  	s1 =	sadd.s32 $0x2B000, s1;
	[dreg:$0xa] =	wrdreg s13;
	s16 =	sadd.s32 $0xAC00, s8  }
0x12: {  	s8 =	sadd.s32 $0xE00, s8;
	s12 =	sadd.s32 s1, s12;
	[dreg:$0x4] =	wrdreg s16  }
0x13: {  	s17 =	sadd.s32 s1, s9;
	[dreg:$0x5] =	wrdreg s8;
	s8 =	sadd.s32 s2, s18  }
0x14: {  	s2 =	sadd.s32 s2, s10;
	s15 =	smov.u32 s12;
	s26 =	sadd.s32 $0x16800, s12  }
.Ltmp0:
0x15: {  	s22 =	sadd.s32 $0x16800, s17;
	s8 =	sshrl.u32 s8, $0x3;
	(pc) =	sbr.rel .LBB2_1-.Ltmp0, $4  }
0x16: {  	s2 =	sshrl.u32 s2, $0x3;
	[dreg:$0xb] =	wrdreg s26;
	s26 =	simm.s32 $0x4F00  }
0x17: {  	s23 =	sadd.s32 s1, s8;
	s8 =	sshrl.u32 s24, $0x3;
	s18 =	sadd.s32 s1, s2  }
0x18: {  	s24 =	smax.u32 s7, $0x1;
	s16 =	sadd.s32 s1, s8;
	s19 =	smov.u32 s23  }
0x19: {  	s20 =	sadd.s32 $0x16800, s23;
	s23 =	sadd.s32 $0x16800, s18;
	s21 =	sadd.s32 $0x16800, s16  }
.LBB2_7:
0x1a: {  	_ =	swait.ge [sflag:s30], $0x2400  }
0x1b: {  	[sflag:s30] =	ssyncset.done $0x0  }
0x1c: {  	[sflag:s30] =	ssyncadd.s32 $0xFFFFDC00  }
0x1d: {  	[bflag:$0x0] =	sbarrier.arrive $0xFFFF  }
0x1e: {  	s11 =	rddreg [dreg:$0xb]  }
0x1f: {  	[hbm:s11], [sflag:s1] =	dma.local [spmem:s2], $0x480  }
0x20: {  	_ =	swait.ge [sflag:s25], $0x480  }
0x21: {  	[sflag:s25] =	ssyncset.done $0x0  }
0x22: {  	[sflag:s25] =	ssyncadd.s32 $0xFFFFFB80  }
0x23: {  	[hbm:s20], [sflag:s1] =	dma.local [spmem:s7], $0x480  }
0x24: {  	_ =	swait.ge [sflag:s25], $0x480  }
0x25: {  	[sflag:s25] =	ssyncset.done $0x0  }
0x26: {  	[sflag:s25] =	ssyncadd.s32 $0xFFFFFB80  }
0x27: {  	[hbm:s21], [sflag:s1] =	dma.local [spmem:s8], $0x480  }
0x28: {  	_ =	swait.ge [sflag:s25], $0x480  }
0x29: {  	[sflag:s25] =	ssyncset.done $0x0  }
0x2a: {  	[sflag:s25] =	ssyncadd.s32 $0xFFFFFB80  }
0x2b: {  	[hbm:s22], [sflag:s1] =	dma.local [spmem:s9], $0x480  }
0x2c: {  	s31 =	sadd.s32 $0x1, s31;
	_ =	swait.ge [sflag:s25], $0x480  }
0x2d: {  	p0 =	sne.s32 s31, s24;
	[sflag:s25] =	ssyncset.done $0x0  }
.Ltmp1:
0x2e: {  	[sflag:s25] =	ssyncadd.s32 $0xFFFFFB80;
	(pc) =	sbr.rel @!p0 .LBB2_8-.Ltmp1, $4  }
0x2f: {  	[hbm:s23], [sflag:s1] =	dma.local [spmem:s10], $0x480  }
0x30: {  	_ =	swait.ge [sflag:s25], $0x480  }
0x31: {  	[sflag:s25] =	ssyncset.done $0x0  }
0x32: {  	[sflag:s25] =	ssyncadd.s32 $0xFFFFFB80  }
.LBB2_1:
0x33: {  	s1 =	rddreg [dreg:$0x4]  }
0x34: {  	[tilespmem:s4], [sflag:$0x3] =	stream.linear.gather [hbm4b:s1+s4], $0x2780, $0x38;
	[tilespmem:$0x14B00] =	vst v63  }
0x35: {  	_ =	swait.ge [sflag:s25], $0x2780  }
0x36: {  	[sflag:s25] =	ssyncset.done $0x0  }
0x37: {  	s11 =	simm.s32 $0x2780;
	s13 =	rddreg [dreg:$0x5];
	[sflag:s25] =	ssyncadd.s32 $0xFFFFD880  }
0x38: {  	[tilespmem:s11], [sflag:$0x3] =	stream.linear.gather [hbm4b:s13+s4], $0x2780, $0x38;
	[tilespmem:$0x14B00] =	vst v63  }
0x39: {  	s14 =	stileid.u32;
	_ =	swait.ge [sflag:s25], $0x2780  }
0x3a: {  	s1 =	sshll.u32 s14, $0x6;
	[sflag:s25] =	ssyncset.done $0x0;
	s2 =	rddreg [dreg:$0x6]  }
0x3b: {  	s1 =	sor.u32 $0x1C03, s1;
	[sflag:s25] =	ssyncadd.s32 $0xFFFFD880;
	s2 =	sshrl.u32 s2, $0x3  }
0x3c: {  	[spmem:s2], [sflag:s1] =	dma.local [hbm:s6], $0x480  }
0x3d: {  	_ =	swait.ge [sflag:s25], $0x480  }
0x3e: {  	[sflag:s25] =	ssyncset.done $0x0;
	s7 =	rddreg [dreg:$0x7]  }
0x3f: {  	[sflag:s25] =	ssyncadd.s32 $0xFFFFFB80;
	s7 =	sshrl.u32 s7, $0x3  }
0x40: {  	[spmem:s7], [sflag:s1] =	dma.local [hbm:s6], $0x480  }
0x41: {  	_ =	swait.ge [sflag:s25], $0x480  }
0x42: {  	[sflag:s25] =	ssyncset.done $0x0;
	s8 =	rddreg [dreg:$0x8]  }
0x43: {  	[sflag:s25] =	ssyncadd.s32 $0xFFFFFB80;
	s8 =	sshrl.u32 s8, $0x3  }
0x44: {  	[spmem:s8], [sflag:s1] =	dma.local [hbm:s6], $0x480  }
0x45: {  	_ =	swait.ge [sflag:s25], $0x480  }
0x46: {  	[sflag:s25] =	ssyncset.done $0x0;
	s9 =	rddreg [dreg:$0x9]  }
0x47: {  	[sflag:s25] =	ssyncadd.s32 $0xFFFFFB80;
	s9 =	sshrl.u32 s9, $0x3  }
0x48: {  	[spmem:s9], [sflag:s1] =	dma.local [hbm:s6], $0x480  }
0x49: {  	_ =	swait.ge [sflag:s25], $0x480  }
0x4a: {  	[sflag:s25] =	ssyncset.done $0x0;
	s10 =	rddreg [dreg:$0xa]  }
0x4b: {  	[sflag:s25] =	ssyncadd.s32 $0xFFFFFB80;
	s10 =	sshrl.u32 s10, $0x3  }
0x4c: {  	[spmem:s10], [sflag:s1] =	dma.local [hbm:s6], $0x480  }
0x4d: {  	_ =	swait.ge [sflag:s25], $0x480  }
0x4e: {  	[sflag:s25] =	ssyncset.done $0x0  }
0x4f: {  	[sflag:s25] =	ssyncadd.s32 $0xFFFFFB80  }
0x50: {  	s12 =	simm.s32 $0x80;
	s13 =	simm.s32 $0x0;
	[bflag:$0x0] =	sbarrier.arrive $0xFFFF  }
0x51: {  	[tilespmem:s26], [sflag:$0x1] =	stream.indirect.gather [hbm4b:s0+s29], $0x48, s4, s29, $0xb8;
	[tilespmem:$0x14B00] =	vst v63  }
.LBB2_2:
0x52: {  	s14 =	sand.u32 $0x1, s13;
	_ =	swait.ge [sflag:s28], $0x2400  }
0x53: {  	p0 =	seq.s32 s14, $0x1;
	s14 =	simm.s32 $0x7300;
	[sflag:s28] =	ssyncset.done $0x0  }
0x54: {  	s14 =	simm.s32 @!p0 $0x4F00;
	[sflag:s28] =	ssyncadd.s32 $0xFFFFDC00;
	p0 =	seq.s32 s13, $0x0  }
0x55: {  	[spmem:s3] =	stream.indirect.scatter.add.f32 [tilespmem:s14], [sflag:$0x2], $0x48, s11, s29, $0xb8;
	[tilespmem:$0x14B00] =	vst v63  }
0x56: {  	p1 =	seq.s32 @!p0 s13, $0x4E  }
0x57: {  	p1 =	por p0, !p1  }
.Ltmp2:
0x58: {  	_ = 	snop;
	(pc) =	sbr.rel @!p1 .LBB2_4-.Ltmp2, $4  }
0x59: {  	s14 =	simm.s32 @!p0 $0x2  }
0x5a: {  	_ =	swait.ge @!p0 [sflag:s14], $0x2400  }
0x5b: {  	[sflag:s14] =	ssyncset.done @!p0 $0x0  }
0x5c: {  	[sflag:s14] =	ssyncadd.s32 @!p0 $0xFFFFDC00  }
0x5d: {  	s13 =	sadd.s32 $0x1, s13  }
.Ltmp3:
0x5e: {  	s14 =	sand.u32 $0x1, s13;
	(pc) =	sbr.rel .LBB2_2-.Ltmp3, $4  }
0x5f: {  	p0 =	seq.s32 s14, $0x1;
	s14 =	simm.s32 $0x7300  }
0x60: {  	s14 =	simm.s32 @!p0 $0x4F00  }
0x61: {  	[tilespmem:s14], [sflag:$0x1] =	stream.indirect.gather [hbm4b:s0+s29], $0x48, s12, s29, $0xb8;
	[tilespmem:$0x14B00] =	vst v63  }
0x62: {  	s11 =	sadd.s32 $0x80, s11;
	s12 =	sadd.s32 $0x80, s12  }
.LBB2_4:
0x63: {  	_ =	swait.ge [sflag:s30], $0x2400  }
0x64: {  	[sflag:s30] =	ssyncset.done $0x0  }
0x65: {  	[sflag:s30] =	ssyncadd.s32 $0xFFFFDC00  }
0x66: {  	[bflag:$0x0] =	sbarrier.arrive $0xFFFF  }
0x67: {  	[hbm:s15], [sflag:s1] =	dma.local [spmem:s2], $0x480  }
0x68: {  	_ =	swait.ge [sflag:s25], $0x480  }
0x69: {  	[sflag:s25] =	ssyncset.done $0x0  }
0x6a: {  	[sflag:s25] =	ssyncadd.s32 $0xFFFFFB80  }
0x6b: {  	[hbm:s19], [sflag:s1] =	dma.local [spmem:s7], $0x480  }
0x6c: {  	_ =	swait.ge [sflag:s25], $0x480  }
0x6d: {  	[sflag:s25] =	ssyncset.done $0x0  }
0x6e: {  	[sflag:s25] =	ssyncadd.s32 $0xFFFFFB80  }
0x6f: {  	[hbm:s16], [sflag:s1] =	dma.local [spmem:s8], $0x480  }
0x70: {  	_ =	swait.ge [sflag:s25], $0x480  }
0x71: {  	[sflag:s25] =	ssyncset.done $0x0  }
0x72: {  	[sflag:s25] =	ssyncadd.s32 $0xFFFFFB80  }
0x73: {  	[hbm:s17], [sflag:s1] =	dma.local [spmem:s9], $0x480  }
0x74: {  	_ =	swait.ge [sflag:s25], $0x480  }
0x75: {  	[sflag:s25] =	ssyncset.done $0x0  }
0x76: {  	[sflag:s25] =	ssyncadd.s32 $0xFFFFFB80  }
0x77: {  	[hbm:s18], [sflag:s1] =	dma.local [spmem:s10], $0x480  }
0x78: {  	_ =	swait.ge [sflag:s25], $0x480  }
0x79: {  	[sflag:s25] =	ssyncset.done $0x0  }
0x7a: {  	[sflag:s25] =	ssyncadd.s32 $0xFFFFFB80  }
0x7b: {  	[spmem:s2], [sflag:s1] =	dma.local [hbm:s6], $0x480  }
0x7c: {  	_ =	swait.ge [sflag:s25], $0x480  }
0x7d: {  	[sflag:s25] =	ssyncset.done $0x0  }
0x7e: {  	[sflag:s25] =	ssyncadd.s32 $0xFFFFFB80  }
0x7f: {  	[spmem:s7], [sflag:s1] =	dma.local [hbm:s6], $0x480  }
0x80: {  	_ =	swait.ge [sflag:s25], $0x480  }
0x81: {  	[sflag:s25] =	ssyncset.done $0x0  }
0x82: {  	[sflag:s25] =	ssyncadd.s32 $0xFFFFFB80  }
0x83: {  	[spmem:s8], [sflag:s1] =	dma.local [hbm:s6], $0x480  }
0x84: {  	_ =	swait.ge [sflag:s25], $0x480  }
0x85: {  	[sflag:s25] =	ssyncset.done $0x0  }
0x86: {  	[sflag:s25] =	ssyncadd.s32 $0xFFFFFB80  }
0x87: {  	[spmem:s9], [sflag:s1] =	dma.local [hbm:s6], $0x480  }
0x88: {  	_ =	swait.ge [sflag:s25], $0x480  }
0x89: {  	[sflag:s25] =	ssyncset.done $0x0  }
0x8a: {  	[sflag:s25] =	ssyncadd.s32 $0xFFFFFB80  }
0x8b: {  	[spmem:s10], [sflag:s1] =	dma.local [hbm:s6], $0x480  }
0x8c: {  	_ =	swait.ge [sflag:s25], $0x480  }
0x8d: {  	[sflag:s25] =	ssyncset.done $0x0  }
0x8e: {  	s11 =	simm.s32 $0x80;
	[sflag:s25] =	ssyncadd.s32 $0xFFFFFB80  }
0x8f: {  	s12 =	simm.s32 $0x0;
	s13 =	simm.s32 $0x2780;
	[bflag:$0x0] =	sbarrier.arrive $0xFFFF  }
0x90: {  	[tilespmem:s26], [sflag:$0x1] =	stream.indirect.gather [hbm4b:s5+s11], $0x48, s12, s11, $0xb8;
	[tilespmem:$0x14B00] =	vst v63  }
.LBB2_5:
0x91: {  	s14 =	sand.u32 $0x1, s12;
	_ =	swait.ge [sflag:s28], $0x2400  }
0x92: {  	p0 =	seq.s32 s14, $0x1;
	s14 =	simm.s32 $0x7300;
	[sflag:s28] =	ssyncset.done $0x0  }
0x93: {  	s14 =	simm.s32 @!p0 $0x4F00;
	[sflag:s28] =	ssyncadd.s32 $0xFFFFDC00;
	p0 =	seq.s32 s12, $0x0  }
0x94: {  	[spmem:s3] =	stream.indirect.scatter.add.f32 [tilespmem:s14], [sflag:$0x2], $0x48, s13, s29, $0xb8;
	[tilespmem:$0x14B00] =	vst v63  }
0x95: {  	p1 =	seq.s32 @!p0 s12, $0x4E  }
0x96: {  	p1 =	por p0, !p1  }
.Ltmp4:
0x97: {  	_ = 	snop;
	(pc) =	sbr.rel @!p1 .LBB2_7-.Ltmp4, $4  }
0x98: {  	s14 =	simm.s32 @!p0 $0x2  }
0x99: {  	_ =	swait.ge @!p0 [sflag:s14], $0x2400  }
0x9a: {  	[sflag:s14] =	ssyncset.done @!p0 $0x0  }
0x9b: {  	[sflag:s14] =	ssyncadd.s32 @!p0 $0xFFFFDC00  }
0x9c: {  	s12 =	sadd.s32 $0x1, s12  }
.Ltmp5:
0x9d: {  	s14 =	sand.u32 $0x1, s12;
	(pc) =	sbr.rel .LBB2_5-.Ltmp5, $4  }
0x9e: {  	p0 =	seq.s32 s14, $0x1;
	s14 =	simm.s32 $0x7300  }
0x9f: {  	s14 =	simm.s32 @!p0 $0x4F00  }
0xa0: {  	[tilespmem:s14], [sflag:$0x1] =	stream.indirect.gather [hbm4b:s5+s29], $0x48, s11, s29, $0xb8;
	[tilespmem:$0x14B00] =	vst v63  }
0xa1: {  	s13 =	sadd.s32 $0x80, s13;
	s11 =	sadd.s32 $0x80, s11  }
.LBB2_8:
0xa2: {  	_ =	sfence.sel $0x180000  }
0xa3: {  	[bflag:$0x0] =	sbarrier.arrive $0xFFFF  }
0xa4: {  	_ =	strace $0x90000047  }
0xa5: {  	s0 =	stileid.u32;
	[bflag:$0x2] =	sbarrier.arrive $0xFFFF  }
0xa6: {  	p0 =	sne.s32 s0, $0x0;
	s0 =	rddreg [dreg:$0x3]  }
0xa7: {  	s0 =	sadd.s32 @!p0 $0x100000, s0  }
0xa8: {  	[sflag:s0] =	ssyncadd.tile.s32 @!p0 $0x1;
	_ =	shalt  }
.Lfunc_end2:
_tile_overlayer_lowered:
.L_overlay_start_2:
0xa9: {  	(tag) =	ssettag $0x2  }
0xaa: {  	s0 =	rddreg [dreg:$0x0];
	s2 =	stileid.u32  }
0xab: {  	s1 =	rddreg [dreg:$0x1];
	p0 =	sne.s32 s2, $0x0  }
0xac: {  	s3 =	rddreg [dreg:$0x2];
	[bflag:$0x3] =	sbarrier.arrive $0xFFFF;
	s2 =	simm.s32 @!p0 $0x1C03  }
0xad: {  	[timem:s3], [sflag:s2] =	dma.local @!p0 [hbm:s0], s1  }
0xae: {  	s0 =	simm.s32 @!p0 $0x3  }
0xaf: {  	_ =	swait.ge @!p0 [sflag:s0], s1  }
0xb0: {  	s1 =	ssub.s32 @!p0 $0x0, s1;
	[sflag:s0] =	ssyncset.done @!p0 $0x0  }
0xb1: {  	[sflag:s0] =	ssyncadd.s32 @!p0 s1  }
0xb2: {  	[bflag:$0x3] =	sbarrier.arrive $0xFFFF  }
0xb3: {  	_ =	shalt  }

</sc_bundles>
